<compile_context>
chip_gen: v7x
topology: tpu7x:2x2x1
jax: 0.10.2.dev20260603
libtpu: 0.0.44.dev20260713+nightly
codegen_flags: <defaults>
</compile_context>

<pallas_src>
import functools

import jax
import jax.numpy as jnp
from jax.experimental import pallas as pl
from jax.experimental.pallas import tpu as pltpu
from jax.experimental.pallas import tpu_sc as plsc

B = 16384
NUM_DENSE = 13
NUM_SPARSE = 26
VOCAB = 100000
D = 64
NF = NUM_SPARSE + 1
NPAIR = NF * (NF - 1) // 2
INT_DIM = D + NPAIR

N_ROWS = NUM_SPARSE * VOCAB
GATHER_WINDOW = 128
N_IDX = B * NUM_SPARSE

BB = 256

REPACK_BLK = 20000
RPB_H = REPACK_BLK // 2


def _repack_body(x_ref, o_ref):
    o_ref[:, :D] = x_ref[:RPB_H]
    o_ref[:, D:] = x_ref[RPB_H:]


def _tc_repack(emb_flat):
    return pl.pallas_call(
        _repack_body,
        grid=(N_ROWS // REPACK_BLK,),
        in_specs=[pl.BlockSpec((REPACK_BLK, D), lambda i: (i, 0))],
        out_specs=pl.BlockSpec((RPB_H, 2 * D), lambda i: (i, 0)),
        out_shape=jax.ShapeDtypeStruct((N_ROWS // 2, 2 * D), jnp.float32),
    )(emb_flat)


def _sc_gather(packed, pair_idx):
    mesh = plsc.VectorSubcoreMesh(core_axis_name="core", subcore_axis_name="subcore")

    @functools.partial(
        pl.kernel,
        out_type=jax.ShapeDtypeStruct((N_IDX, 2 * D), jnp.float32),
        mesh=mesh,
    )
    def k(x_hbm, i_hbm, o_hbm):
        def body(i_vmem, o_vmem):
            pltpu.sync_copy(x_hbm.at[i_vmem.at[0]], o_vmem)

        pltpu.emit_pipeline(
            body,
            grid=(N_IDX // GATHER_WINDOW,),
            in_specs=[pl.BlockSpec((1, GATHER_WINDOW), lambda i: (0, i))],
            out_specs=[pl.BlockSpec((GATHER_WINDOW, 2 * D), lambda i: (i, 0))],
            core_axis_name=("core", "subcore"),
            dimension_semantics=(pltpu.PARALLEL,),
        )(i_hbm, o_hbm)

    return k(packed, pair_idx)


def _tc_body(numT_ref, emb_ref, par_ref,
             bw0T, bb0, bw1, bb1, bw2, bb2,
             tw0T, tb0, tw1, tb1, tw2, tb2, tw3, tb3, tw4, tb4,
             out_ref):
    f32 = jnp.float32
    xT = numT_ref[...]
    h = jnp.maximum(jnp.dot(bw0T[...], xT, preferred_element_type=f32) + bb0[...], 0.0)
    h = jnp.maximum(jnp.dot(bw1[...], h, preferred_element_type=f32) + bb1[...], 0.0)
    bot = jnp.maximum(jnp.dot(bw2[...], h, preferred_element_type=f32) + bb2[...], 0.0)

    Ts = [bot]
    for f in range(NUM_SPARSE):
        gT = emb_ref[f].T
        m = par_ref[f]
        Ts.append(gT[:D] + m * (gT[D:] - gT[:D]))
    T3 = jnp.stack(Ts, axis=0)
    zparts = []
    for i in range(1, NF):
        prod = T3[:i] * T3[i][None]
        zparts.append(jnp.sum(prod, axis=1))
    zcat = jnp.concatenate(zparts, axis=0)
    topT = jnp.concatenate([bot, zcat], axis=0)

    y = jnp.maximum(jnp.dot(tw0T[...], topT, preferred_element_type=f32) + tb0[...], 0.0)
    y = jnp.maximum(jnp.dot(tw1[...], y, preferred_element_type=f32) + tb1[...], 0.0)
    y = jnp.maximum(jnp.dot(tw2[...], y, preferred_element_type=f32) + tb2[...], 0.0)
    y = jnp.maximum(jnp.dot(tw3[...], y, preferred_element_type=f32) + tb3[...], 0.0)
    out_ref[...] = jnp.dot(tw4[...], y, preferred_element_type=f32) + tb4[...]


def _tc_forward(numT, emb_pk, parity, weightsT, interpret=False):
    full = lambda a: pl.BlockSpec(a.shape, lambda b: tuple(0 for _ in a.shape))
    in_specs = [
        pl.BlockSpec((NUM_DENSE, BB), lambda b: (0, b)),
        pl.BlockSpec((NUM_SPARSE, BB, 2 * D), lambda b: (0, b, 0)),
        pl.BlockSpec((NUM_SPARSE, 1, BB), lambda b: (0, 0, b)),
    ] + [full(w) for w in weightsT]
    out = pl.pallas_call(
        _tc_body,
        grid=(B // BB,),
        in_specs=in_specs,
        out_specs=pl.BlockSpec((1, BB), lambda b: (0, b)),
        out_shape=jax.ShapeDtypeStruct((1, B), jnp.float32),
        interpret=interpret,
    )(numT, emb_pk, parity, *weightsT)
    return out.reshape(B)


def _index_prep(categorical_input):
    offs = (jnp.arange(NUM_SPARSE, dtype=jnp.int32) * VOCAB)[:, None]
    flat_idx = categorical_input.T.astype(jnp.int32) + offs
    blk_i = flat_idx // REPACK_BLK
    rem = flat_idx % REPACK_BLK
    pair_idx = (blk_i * RPB_H + rem % RPB_H).reshape(1, N_IDX)
    parity = (rem // RPB_H).astype(jnp.float32).reshape(NUM_SPARSE, 1, B)
    return pair_idx, parity


def kernel(numerical_input, categorical_input, emb_tables,
           bw0, bb0, bw1, bb1, bw2, bb2,
           tw0, tb0, tw1, tb1, tw2, tb2, tw3, tb3, tw4, tb4):
    emb_flat = emb_tables.reshape(N_ROWS, D)
    packed = _tc_repack(emb_flat)
    pair_idx, parity = _index_prep(categorical_input)
    gathered = _sc_gather(packed, pair_idx)
    emb_pk = gathered.reshape(NUM_SPARSE, B, 2 * D)

    numT = numerical_input.T
    col = lambda v: v.reshape(-1, 1)
    weightsT = [
        bw0.T, col(bb0), bw1.T, col(bb1), bw2.T, col(bb2),
        tw0.T, col(tb0), tw1.T, col(tb1), tw2.T, col(tb2),
        tw3.T, col(tb3), tw4.T, col(tb4),
    ]
    return _tc_forward(numT, emb_pk, parity, weightsT)

# --- scband reference (transcript-rebuilt; emitter-appended) ---
"""Pipeline reference for scband-dlrm-model-27822798143893 (READ-ONLY COPY).

The authoritative reference and input builder live on the scoring server;
editing this copy changes nothing except your own understanding.
"""

import jax, jax.numpy as jnp
import numpy as np

B = 16384
NUM_DENSE = 13
NUM_SPARSE = 26
VOCAB = 100000
D = 64
BOT_SIZES = [512, 256, 64]
TOP_SIZES = [1024, 1024, 512, 256, 1]
INT_DIM = D + (NUM_SPARSE + 1) * NUM_SPARSE // 2  # 64 + 351 = 415


def _mk_mlp(key, sizes, in_dim):
    params = []
    d = in_dim
    for h in sizes:
        k1, key = jax.random.split(key)
        W = jax.random.normal(k1, (d, h), dtype=jnp.float32) * (1.0 / np.sqrt(d))
        b = jnp.zeros((h,), dtype=jnp.float32)
        params += [W, b]
        d = h
    return params


def setup_inputs(seed: int = 0) -> dict:
    key = jax.random.key(seed)
    k0, k1, k2, k3, k4 = jax.random.split(key, 5)
    inp = {}
    inp["numerical_input"] = jax.random.normal(k0, (B, NUM_DENSE), dtype=jnp.float32)
    inp["categorical_input"] = jax.random.randint(k1, (B, NUM_SPARSE), 0, VOCAB, dtype=jnp.int32)
    inp["emb_tables"] = jax.random.normal(k2, (NUM_SPARSE, VOCAB, D), dtype=jnp.float32) * 0.01
    bot = _mk_mlp(k3, BOT_SIZES, NUM_DENSE)
    top = _mk_mlp(k4, TOP_SIZES, INT_DIM)
    for i in range(len(BOT_SIZES)):
        inp[f"bw{i}"] = bot[2 * i]
        inp[f"bb{i}"] = bot[2 * i + 1]
    for i in range(len(TOP_SIZES)):
        inp[f"tw{i}"] = top[2 * i]
        inp[f"tb{i}"] = top[2 * i + 1]
    return inp


def _forward(numerical_input, categorical_input, emb_tables, bot_params, top_params):
    # bottom MLP over dense features
    x = numerical_input
    for i in range(0, len(bot_params), 2):
        x = jax.nn.relu(x @ bot_params[i] + bot_params[i + 1])
    bottom_out = x  # [B, D]
    # per-field embedding lookup (gather): [B, NUM_SPARSE, D]
    table_idx = jnp.arange(NUM_SPARSE)[None, :]
    emb = emb_tables[table_idx, categorical_input]
    # dot interaction over (bottom_mlp_output, embeddings)
    T = jnp.concatenate([bottom_out[:, None, :], emb], axis=1)  # [B, 27, D]
    Z = jnp.einsum('bnd,bmd->bnm', T, T)  # [B, 27, 27]
    li, lj = jnp.tril_indices(NUM_SPARSE + 1, k=-1)
    top_in = jnp.concatenate([bottom_out, Z[:, li, lj]], axis=1)  # [B, 415]
    # top MLP (linear final layer), then squeeze
    y = top_in
    n = len(top_params) // 2
    for i in range(n):
        y = y @ top_params[2 * i] + top_params[2 * i + 1]
        if i < n - 1:
            y = jax.nn.relu(y)
    return jnp.squeeze(y, axis=-1)


def reference(numerical_input, categorical_input, emb_tables,
              bw0, bb0, bw1, bb1, bw2, bb2,
              tw0, tb0, tw1, tb1, tw2, tb2, tw3, tb3, tw4, tb4):
    bot = [bw0, bb0, bw1, bb1, bw2, bb2]
    top = [tw0, tb0, tw1, tb1, tw2, tb2, tw3, tb3, tw4, tb4]
    return _forward(numerical_input, categorical_input, emb_tables, bot, top)

if __name__ == "__main__":
    import jax
    _d = setup_inputs()
    print(jax.jit(kernel)(*tuple(_d.values())))

</pallas_src>

<mosaic_0001>
#map = affine_map<(d0, d1) -> (0, 0)>
module attributes {stable_mosaic.version = 14 : i64} {
  func.func @k(%arg0: i32, %arg1: i32, %arg2: memref<1300000x128xf32, #tpu.memory_space<hbm>>, %arg3: memref<1x425984xi32, #tpu.memory_space<hbm>>, %arg4: memref<425984x128xf32, #tpu.memory_space<hbm>>) attributes {dimension_semantics = [#tpu.dimension_semantics<core_parallel>, #tpu.dimension_semantics<subcore_parallel>], iteration_bounds = array<i64: 2, 16>, scalar_prefetch = 0 : i64, scratch_operands = 0 : i64, tpu.core_type = #tpu.core_type<sc_vector_subcore>, window_params = [{transform_indices = #map}, {transform_indices = #map}, {transform_indices = #map}]} {
    %mul3A = arith.constant 1 : i32
    %mul3A_0 = arith.muli %arg1, %mul3A : i32
    %add3A = arith.constant 0 : i32
    %add3A_1 = arith.addi %add3A, %mul3A_0 : i32
    %mul3A_2 = arith.constant 16 : i32
    %mul3A_3 = arith.muli %arg0, %mul3A_2 : i32
    %add3A_4 = arith.addi %add3A_1, %mul3A_3 : i32
    %mul3A_5 = arith.constant 104 : i32
    %mul3A_6 = arith.muli %add3A_4, %mul3A_5 : i32
    "tpu.region"() ({
      %run_scoped3A = memref.alloca() : memref<2x1x128xi32, #tpu.memory_space<vmem>>
      %run_scoped3A_7 = tpu.sem_alloc : memref<2x!tpu.dma_semaphore, #tpu.memory_space<semaphore_mem>>
      %run_scoped3A_8 = memref.alloca() : memref<2x128x128xf32, #tpu.memory_space<vmem>>
      %run_scoped3A_9 = tpu.sem_alloc : memref<2x!tpu.dma_semaphore, #tpu.memory_space<semaphore_mem>>
      %add3A_10 = arith.constant 0 : i32
      %add3A_11 = arith.addi %add3A_10, %mul3A_6 : i32
      %select_n3A = arith.constant true
      %select_n3A_12 = arith.constant 0 : i32
      %select_n3A_13 = arith.constant -1 : i32
      %select_n3A_14 = arith.select %select_n3A, %select_n3A_13, %select_n3A_12 : i32
      %eq3A = arith.constant -1 : i32
      %eq3A_15 = arith.cmpi eq, %select_n3A_14, %eq3A : i32
      %select_n3A_16 = arith.constant 103 : i32
      %select_n3A_17 = arith.select %eq3A_15, %select_n3A_16, %select_n3A_14 : i32
      %add3A_18 = arith.addi %select_n3A_17, %mul3A_6 : i32
      %select_n3A_19 = arith.constant true
      %select_n3A_20 = arith.constant 0 : i32
      %select_n3A_21 = arith.constant 1 : i32
      %select_n3A_22 = arith.select %select_n3A_19, %select_n3A_21, %select_n3A_20 : i32
      %eq3A_23 = arith.constant 104 : i32
      %eq3A_24 = arith.cmpi eq, %select_n3A_22, %eq3A_23 : i32
      %select_n3A_25 = arith.constant 0 : i32
      %select_n3A_26 = arith.select %eq3A_24, %select_n3A_25, %select_n3A_22 : i32
      %add3A_27 = arith.addi %select_n3A_26, %mul3A_6 : i32
      %add3A_28 = arith.constant 1 : i32
      %add3A_29 = arith.addi %select_n3A_26, %add3A_28 : i32
      %select_n3A_30 = arith.constant true
      %select_n3A_31 = arith.select %select_n3A_30, %add3A_29, %select_n3A_26 : i32
      %eq3A_32 = arith.constant 104 : i32
      %eq3A_33 = arith.cmpi eq, %select_n3A_31, %eq3A_32 : i32
      %select_n3A_34 = arith.constant 0 : i32
      %select_n3A_35 = arith.select %eq3A_33, %select_n3A_34, %select_n3A_31 : i32
      %add3A_36 = arith.addi %select_n3A_35, %mul3A_6 : i32
      "tpu.trace_start"() <{level = 10 : i32, message = "ep_initialize_0"}> : () -> ()
      %rem3A = arith.constant 0 : i32
      %rem3A_37 = arith.constant 2 : i32
      %rem3A_38 = arith.remui %rem3A, %rem3A_37 : i32
      %mul3A_39 = arith.constant 128 : i32
      %mul3A_40 = arith.muli %mul3A_39, %add3A_11 : i32
      %dma_start3A = arith.constant 0 : i32
      %dma_start3A_41 = arith.constant 0 : i32
      %dma_start3A_42 = tpu.memref_slice %run_scoped3A[%rem3A_38, %dma_start3A, %dma_start3A_41] : memref<2x1x128xi32, #tpu.memory_space<vmem>> -> memref<1x1x128xi32, #tpu.memory_space<vmem>>
      %dma_start3A_43 = tpu.memref_squeeze %dma_start3A_42 : memref<1x1x128xi32, #tpu.memory_space<vmem>> -> memref<1x128xi32, #tpu.memory_space<vmem>>
      %dma_start3A_44 = arith.constant 0 : i32
      %dma_start3A_45 = tpu.memref_slice %arg3[%dma_start3A_44, %mul3A_40] : memref<1x425984xi32, #tpu.memory_space<hbm>> -> memref<1x128xi32, #tpu.memory_space<hbm>>
      %dma_start3A_46 = tpu.memref_slice %run_scoped3A_7[%rem3A_38] : memref<2x!tpu.dma_semaphore, #tpu.memory_space<semaphore_mem>> -> memref<1x!tpu.dma_semaphore, #tpu.memory_space<semaphore_mem>>
      %dma_start3A_47 = tpu.memref_squeeze %dma_start3A_46 : memref<1x!tpu.dma_semaphore, #tpu.memory_space<semaphore_mem>> -> memref<!tpu.dma_semaphore, #tpu.memory_space<semaphore_mem>>
      %dma_start3A_48 = arith.constant 0 : i32
      %dma_start3A_49 = arith.constant 0 : i32
      %dma_start3A_50 = tpu.memref_slice %run_scoped3A[%rem3A_38, %dma_start3A_48, %dma_start3A_49] : memref<2x1x128xi32, #tpu.memory_space<vmem>> -> memref<1x1x128xi32, #tpu.memory_space<vmem>>
      %dma_start3A_51 = tpu.memref_squeeze %dma_start3A_50 : memref<1x1x128xi32, #tpu.memory_space<vmem>> -> memref<1x128xi32, #tpu.memory_space<vmem>>
      %dma_start3A_52 = arith.constant 0 : i32
      %dma_start3A_53 = tpu.memref_slice %arg3[%dma_start3A_52, %mul3A_40] : memref<1x425984xi32, #tpu.memory_space<hbm>> -> memref<1x128xi32, #tpu.memory_space<hbm>>
      tpu.enqueue_dma source(%dma_start3A_53 : memref<1x128xi32, #tpu.memory_space<hbm>>) target(%dma_start3A_51 : memref<1x128xi32, #tpu.memory_space<vmem>>) target_semaphore(%dma_start3A_47 : memref<!tpu.dma_semaphore, #tpu.memory_space<semaphore_mem>>)
      %add3A_54 = arith.constant 0 : i32
      %add3A_55 = arith.constant 1 : i32
      %add3A_56 = arith.addi %add3A_54, %add3A_55 : i32
      %select_n3A_57 = arith.constant true
      %select_n3A_58 = arith.constant 0 : i32
      %select_n3A_59 = arith.select %select_n3A_57, %add3A_56, %select_n3A_58 : i32
      "tpu.trace_stop"() : () -> ()
      %scan3A = arith.constant 0 : i32
      %scan3A_60 = arith.constant 0 : i32
      %scan3A_61 = arith.constant 0 : i32
      %scan3A_62 = arith.constant 0 : i32
      %scan3A_63 = arith.constant 0 : i32
      %scan3A_64 = arith.constant 104 : i32
      %scan3A_65 = arith.addi %scan3A_63, %scan3A_64 : i32
      %scan3A_66 = arith.constant 1 : i32
      %scan3A_67:5 = scf.for %scan3A_121 = %scan3A_63 to %scan3A_65 step %scan3A_66 iter_args(%scan3A_122 = %select_n3A_59, %scan3A_123 = %scan3A, %scan3A_124 = %scan3A_60, %scan3A_125 = %scan3A_61, %scan3A_126 = %scan3A_62) -> (i32, i32, i32, i32, i32)  : i32 {
        %eq3A_127 = arith.constant 0 : i32
        %eq3A_128 = arith.cmpi eq, %scan3A_121, %eq3A_127 : i32
        %eq3A_129 = arith.constant 103 : i32
        %eq3A_130 = arith.cmpi eq, %scan3A_121, %eq3A_129 : i32
        %add3A_131 = arith.addi %scan3A_126, %mul3A_6 : i32
        %sub3A_132 = arith.constant 1 : i32
        %sub3A_133 = arith.subi %scan3A_126, %sub3A_132 : i32
        %select_n3A_134 = arith.constant true
        %select_n3A_135 = arith.select %select_n3A_134, %sub3A_133, %scan3A_126 : i32
        %eq3A_136 = arith.constant -1 : i32
        %eq3A_137 = arith.cmpi eq, %select_n3A_135, %eq3A_136 : i32
        %select_n3A_138 = arith.constant 103 : i32
        %select_n3A_139 = arith.select %eq3A_137, %select_n3A_138, %select_n3A_135 : i32
        %add3A_140 = arith.addi %select_n3A_139, %mul3A_6 : i32
        %add3A_141 = arith.constant 1 : i32
        %add3A_142 = arith.addi %scan3A_126, %add3A_141 : i32
        %select_n3A_143 = arith.constant true
        %select_n3A_144 = arith.select %select_n3A_143, %add3A_142, %scan3A_126 : i32
        %eq3A_145 = arith.constant 104 : i32
        %eq3A_146 = arith.cmpi eq, %select_n3A_144, %eq3A_145 : i32
        %select_n3A_147 = arith.constant 0 : i32
        %select_n3A_148 = arith.select %eq3A_146, %select_n3A_147, %select_n3A_144 : i32
        %add3A_149 = arith.addi %select_n3A_148, %mul3A_6 : i32
        %add3A_150 = arith.constant 1 : i32
        %add3A_151 = arith.addi %select_n3A_148, %add3A_150 : i32
        %select_n3A_152 = arith.constant true
        %select_n3A_153 = arith.select %select_n3A_152, %add3A_151, %select_n3A_148 : i32
        %eq3A_154 = arith.constant 104 : i32
        %eq3A_155 = arith.cmpi eq, %select_n3A_153, %eq3A_154 : i32
        %select_n3A_156 = arith.constant 0 : i32
        %select_n3A_157 = arith.select %eq3A_155, %select_n3A_156, %select_n3A_153 : i32
        %add3A_158 = arith.addi %select_n3A_157, %mul3A_6 : i32
        %ne3A = arith.cmpi ne, %add3A_131, %add3A_149 : i32
        %or3A = arith.constant false
        %or3A_159 = arith.ori %or3A, %ne3A : i1
        %ge3A = arith.constant 103 : i32
        %ge3A_160 = arith.cmpi sge, %scan3A_121, %ge3A : i32
        %not3A = arith.constant true
        %not3A_161 = arith.xori %ge3A_160, %not3A : i1
        %and3A = arith.andi %or3A_159, %not3A_161 : i1
        %convert_element_type3A = arith.extui %and3A : i1 to i32
        %cond3A = arith.constant 0 : i32
        %cond3A_162 = arith.cmpi ne, %convert_element_type3A, %cond3A : i32
        scf.if %cond3A_162 {
          "tpu.trace_start"() <{level = 10 : i32, message = "ep_copy_in"}> : () -> ()
          %rem3A_264 = arith.constant 2 : i32
          %rem3A_265 = arith.remui %scan3A_122, %rem3A_264 : i32
          %mul3A_266 = arith.constant 128 : i32
          %mul3A_267 = arith.muli %mul3A_266, %add3A_149 : i32
          %dma_start3A_268 = arith.constant 0 : i32
          %dma_start3A_269 = arith.constant 0 : i32
          %dma_start3A_270 = tpu.memref_slice %run_scoped3A[%rem3A_265, %dma_start3A_268, %dma_start3A_269] : memref<2x1x128xi32, #tpu.memory_space<vmem>> -> memref<1x1x128xi32, #tpu.memory_space<vmem>>
          %dma_start3A_271 = tpu.memref_squeeze %dma_start3A_270 : memref<1x1x128xi32, #tpu.memory_space<vmem>> -> memref<1x128xi32, #tpu.memory_space<vmem>>
          %dma_start3A_272 = arith.constant 0 : i32
          %dma_start3A_273 = tpu.memref_slice %arg3[%dma_start3A_272, %mul3A_267] : memref<1x425984xi32, #tpu.memory_space<hbm>> -> memref<1x128xi32, #tpu.memory_space<hbm>>
          %dma_start3A_274 = tpu.memref_slice %run_scoped3A_7[%rem3A_265] : memref<2x!tpu.dma_semaphore, #tpu.memory_space<semaphore_mem>> -> memref<1x!tpu.dma_semaphore, #tpu.memory_space<semaphore_mem>>
          %dma_start3A_275 = tpu.memref_squeeze %dma_start3A_274 : memref<1x!tpu.dma_semaphore, #tpu.memory_space<semaphore_mem>> -> memref<!tpu.dma_semaphore, #tpu.memory_space<semaphore_mem>>
          %dma_start3A_276 = arith.constant 0 : i32
          %dma_start3A_277 = arith.constant 0 : i32
          %dma_start3A_278 = tpu.memref_slice %run_scoped3A[%rem3A_265, %dma_start3A_276, %dma_start3A_277] : memref<2x1x128xi32, #tpu.memory_space<vmem>> -> memref<1x1x128xi32, #tpu.memory_space<vmem>>
          %dma_start3A_279 = tpu.memref_squeeze %dma_start3A_278 : memref<1x1x128xi32, #tpu.memory_space<vmem>> -> memref<1x128xi32, #tpu.memory_space<vmem>>
          %dma_start3A_280 = arith.constant 0 : i32
          %dma_start3A_281 = tpu.memref_slice %arg3[%dma_start3A_280, %mul3A_267] : memref<1x425984xi32, #tpu.memory_space<hbm>> -> memref<1x128xi32, #tpu.memory_space<hbm>>
          tpu.enqueue_dma source(%dma_start3A_281 : memref<1x128xi32, #tpu.memory_space<hbm>>) target(%dma_start3A_279 : memref<1x128xi32, #tpu.memory_space<vmem>>) target_semaphore(%dma_start3A_275 : memref<!tpu.dma_semaphore, #tpu.memory_space<semaphore_mem>>)
          "tpu.trace_stop"() : () -> ()
        } else {
        }
        %and3A_163 = arith.constant true
        %and3A_164 = arith.andi %and3A, %and3A_163 : i1
        %add3A_165 = arith.constant 1 : i32
        %add3A_166 = arith.addi %scan3A_122, %add3A_165 : i32
        %select_n3A_167 = arith.select %and3A_164, %add3A_166, %scan3A_122 : i32
        %ne3A_168 = arith.cmpi ne, %add3A_131, %add3A_149 : i32
        %or3A_169 = arith.constant false
        %or3A_170 = arith.ori %or3A_169, %ne3A_168 : i1
        %or3A_171 = arith.constant false
        %or3A_172 = arith.ori %or3A_170, %or3A_171 : i1
        %ge3A_173 = arith.constant 103 : i32
        %ge3A_174 = arith.cmpi sge, %scan3A_121, %ge3A_173 : i32
        %not3A_175 = arith.constant true
        %not3A_176 = arith.xori %ge3A_174, %not3A_175 : i1
        %and3A_177 = arith.andi %or3A_172, %not3A_176 : i1
        %ne3A_178 = arith.cmpi ne, %add3A_131, %add3A_140 : i32
        %or3A_179 = arith.constant false
        %or3A_180 = arith.ori %or3A_179, %ne3A_178 : i1
        %or3A_181 = arith.ori %or3A_180, %eq3A_128 : i1
        %convert_element_type3A_182 = arith.extui %or3A_181 : i1 to i32
        %cond3A_183 = arith.constant 0 : i32
        %cond3A_184 = arith.cmpi ne, %convert_element_type3A_182, %cond3A_183 : i32
        scf.if %cond3A_184 {
          "tpu.trace_start"() <{level = 10 : i32, message = "ep_wait_in"}> : () -> ()
          %mul3A_264 = arith.constant 128 : i32
          %mul3A_265 = arith.muli %mul3A_264, %add3A_131 : i32
          %rem3A_266 = arith.constant 2 : i32
          %rem3A_267 = arith.remui %scan3A_123, %rem3A_266 : i32
          %dma_wait3A_268 = arith.constant 0 : i32
          %dma_wait3A_269 = arith.constant 0 : i32
          %dma_wait3A_270 = tpu.memref_slice %run_scoped3A[%rem3A_267, %dma_wait3A_268, %dma_wait3A_269] : memref<2x1x128xi32, #tpu.memory_space<vmem>> -> memref<1x1x128xi32, #tpu.memory_space<vmem>>
          %dma_wait3A_271 = tpu.memref_squeeze %dma_wait3A_270 : memref<1x1x128xi32, #tpu.memory_space<vmem>> -> memref<1x128xi32, #tpu.memory_space<vmem>>
          %dma_wait3A_272 = arith.constant 0 : i32
          %dma_wait3A_273 = tpu.memref_slice %arg3[%dma_wait3A_272, %mul3A_265] : memref<1x425984xi32, #tpu.memory_space<hbm>> -> memref<1x128xi32, #tpu.memory_space<hbm>>
          %dma_wait3A_274 = tpu.memref_slice %run_scoped3A_7[%rem3A_267] : memref<2x!tpu.dma_semaphore, #tpu.memory_space<semaphore_mem>> -> memref<1x!tpu.dma_semaphore, #tpu.memory_space<semaphore_mem>>
          %dma_wait3A_275 = tpu.memref_squeeze %dma_wait3A_274 : memref<1x!tpu.dma_semaphore, #tpu.memory_space<semaphore_mem>> -> memref<!tpu.dma_semaphore, #tpu.memory_space<semaphore_mem>>
          %dma_wait3A_276 = arith.constant 0 : i32
          %dma_wait3A_277 = arith.constant 0 : i32
          %dma_wait3A_278 = tpu.memref_slice %run_scoped3A[%rem3A_267, %dma_wait3A_276, %dma_wait3A_277] : memref<2x1x128xi32, #tpu.memory_space<vmem>> -> memref<1x1x128xi32, #tpu.memory_space<vmem>>
          %dma_wait3A_279 = tpu.memref_squeeze %dma_wait3A_278 : memref<1x1x128xi32, #tpu.memory_space<vmem>> -> memref<1x128xi32, #tpu.memory_space<vmem>>
          %dma_wait3A_280 = arith.constant 0 : i32
          %dma_wait3A_281 = tpu.memref_slice %arg3[%dma_wait3A_280, %mul3A_265] : memref<1x425984xi32, #tpu.memory_space<hbm>> -> memref<1x128xi32, #tpu.memory_space<hbm>>
          tpu.wait_dma2 semaphore(%dma_wait3A_275 : memref<!tpu.dma_semaphore, #tpu.memory_space<semaphore_mem>>) src(%dma_wait3A_281 : memref<1x128xi32, #tpu.memory_space<hbm>>) dst(%dma_wait3A_279 : memref<1x128xi32, #tpu.memory_space<vmem>>)
          "tpu.trace_stop"() : () -> ()
        } else {
        }
        %ne3A_185 = arith.cmpi ne, %add3A_131, %add3A_140 : i32
        %or3A_186 = arith.constant false
        %or3A_187 = arith.ori %or3A_186, %ne3A_185 : i1
        %or3A_188 = arith.constant false
        %or3A_189 = arith.ori %or3A_187, %or3A_188 : i1
        %or3A_190 = arith.ori %or3A_189, %eq3A_128 : i1
        %convert_element_type3A_191 = arith.extui %or3A_190 : i1 to i32
        %cond3A_192 = arith.constant 0 : i32
        %cond3A_193 = arith.cmpi ne, %convert_element_type3A_191, %cond3A_192 : i32
        scf.if %cond3A_193 {
        } else {
        }
        %rem3A_194 = arith.constant 2 : i32
        %rem3A_195 = arith.remui %scan3A_123, %rem3A_194 : i32
        %rem3A_196 = arith.constant 2 : i32
        %rem3A_197 = arith.remui %scan3A_124, %rem3A_196 : i32
        %run_scoped3A_198 = arith.constant 0 : i32
        "tpu.trace_start"() <{level = 10 : i32, message = "ep_run_kernel"}> : () -> ()
        "tpu.region"() ({
          %run_scoped3A_264 = tpu.sem_alloc : memref<!tpu.dma_semaphore, #tpu.memory_space<semaphore_mem>>
          %dma_start3A_265 = arith.constant 0 : i32
          %dma_start3A_266 = arith.constant 0 : i32
          %dma_start3A_267 = tpu.memref_slice %run_scoped3A_8[%rem3A_197, %dma_start3A_265, %dma_start3A_266] : memref<2x128x128xf32, #tpu.memory_space<vmem>> -> memref<1x128x128xf32, #tpu.memory_space<vmem>>
          %dma_start3A_268 = tpu.memref_squeeze %dma_start3A_267 : memref<1x128x128xf32, #tpu.memory_space<vmem>> -> memref<128x128xf32, #tpu.memory_space<vmem>>
          %dma_start3A_269 = arith.constant 0 : i32
          %dma_start3A_270 = arith.constant 0 : i32
          %dma_start3A_271 = tpu.memref_slice %run_scoped3A[%rem3A_195, %dma_start3A_269, %dma_start3A_270] : memref<2x1x128xi32, #tpu.memory_space<vmem>> -> memref<1x1x128xi32, #tpu.memory_space<vmem>>
          %dma_start3A_272 = tpu.memref_squeeze %dma_start3A_271 : memref<1x1x128xi32, #tpu.memory_space<vmem>> -> memref<1x128xi32, #tpu.memory_space<vmem>>
          %dma_start3A_273 = arith.constant 0 : i32
          %dma_start3A_274 = tpu.memref_slice %dma_start3A_272[%run_scoped3A_198, %dma_start3A_273] : memref<1x128xi32, #tpu.memory_space<vmem>> -> memref<1x128xi32, #tpu.memory_space<vmem>>
          %dma_start3A_275 = tpu.memref_squeeze %dma_start3A_274 : memref<1x128xi32, #tpu.memory_space<vmem>> -> memref<128xi32, #tpu.memory_space<vmem>>
          %dma_start3A_276 = arith.constant 0 : i32
          %dma_start3A_277 = arith.constant 0 : i32
          %dma_start3A_278 = tpu.memref_slice %arg2[%dma_start3A_276, %dma_start3A_277] : memref<1300000x128xf32, #tpu.memory_space<hbm>> -> memref<1300000x128xf32, #tpu.memory_space<hbm>>
          tpu.enqueue_indirect_dma source(%dma_start3A_278 : memref<1300000x128xf32, #tpu.memory_space<hbm>>) target(%dma_start3A_268 : memref<128x128xf32, #tpu.memory_space<vmem>>) offsets(%dma_start3A_275 : memref<128xi32, #tpu.memory_space<vmem>>) semaphore(%run_scoped3A_264 : memref<!tpu.dma_semaphore, #tpu.memory_space<semaphore_mem>>)
          %dma_wait3A_279 = arith.constant 0 : i32
          %dma_wait3A_280 = arith.constant 0 : i32
          %dma_wait3A_281 = tpu.memref_slice %run_scoped3A_8[%rem3A_197, %dma_wait3A_279, %dma_wait3A_280] : memref<2x128x128xf32, #tpu.memory_space<vmem>> -> memref<1x128x128xf32, #tpu.memory_space<vmem>>
          %dma_wait3A_282 = tpu.memref_squeeze %dma_wait3A_281 : memref<1x128x128xf32, #tpu.memory_space<vmem>> -> memref<128x128xf32, #tpu.memory_space<vmem>>
          %dma_wait3A_283 = arith.constant 0 : i32
          %dma_wait3A_284 = arith.constant 0 : i32
          %dma_wait3A_285 = tpu.memref_slice %run_scoped3A[%rem3A_195, %dma_wait3A_283, %dma_wait3A_284] : memref<2x1x128xi32, #tpu.memory_space<vmem>> -> memref<1x1x128xi32, #tpu.memory_space<vmem>>
          %dma_wait3A_286 = tpu.memref_squeeze %dma_wait3A_285 : memref<1x1x128xi32, #tpu.memory_space<vmem>> -> memref<1x128xi32, #tpu.memory_space<vmem>>
          %dma_wait3A_287 = arith.constant 0 : i32
          %dma_wait3A_288 = tpu.memref_slice %dma_wait3A_286[%run_scoped3A_198, %dma_wait3A_287] : memref<1x128xi32, #tpu.memory_space<vmem>> -> memref<1x128xi32, #tpu.memory_space<vmem>>
          %dma_wait3A_289 = tpu.memref_squeeze %dma_wait3A_288 : memref<1x128xi32, #tpu.memory_space<vmem>> -> memref<128xi32, #tpu.memory_space<vmem>>
          %dma_wait3A_290 = arith.constant 0 : i32
          %dma_wait3A_291 = arith.constant 0 : i32
          %dma_wait3A_292 = tpu.memref_slice %arg2[%dma_wait3A_290, %dma_wait3A_291] : memref<1300000x128xf32, #tpu.memory_space<hbm>> -> memref<1300000x128xf32, #tpu.memory_space<hbm>>
          tpu.wait_indirect_dma semaphore(%run_scoped3A_264 : memref<!tpu.dma_semaphore, #tpu.memory_space<semaphore_mem>>) src(%dma_wait3A_292 : memref<1300000x128xf32, #tpu.memory_space<hbm>>) dst(%dma_wait3A_282 : memref<128x128xf32, #tpu.memory_space<vmem>>)
          tpu.yield
        }) : () -> ()
        "tpu.trace_stop"() : () -> ()
        %ne3A_199 = arith.cmpi ne, %add3A_131, %add3A_149 : i32
        %or3A_200 = arith.constant false
        %or3A_201 = arith.ori %or3A_200, %ne3A_199 : i1
        %or3A_202 = arith.ori %or3A_201, %eq3A_130 : i1
        %convert_element_type3A_203 = arith.extui %or3A_202 : i1 to i32
        %cond3A_204 = arith.constant 0 : i32
        %cond3A_205 = arith.cmpi ne, %convert_element_type3A_203, %cond3A_204 : i32
        scf.if %cond3A_205 {
        } else {
        }
        %and3A_206 = arith.constant false
        %and3A_207 = arith.andi %or3A_202, %and3A_206 : i1
        %ne3A_208 = arith.cmpi ne, %add3A_131, %add3A_149 : i32
        %or3A_209 = arith.constant false
        %or3A_210 = arith.ori %or3A_209, %ne3A_208 : i1
        %or3A_211 = arith.constant false
        %or3A_212 = arith.ori %or3A_210, %or3A_211 : i1
        %or3A_213 = arith.ori %or3A_212, %eq3A_130 : i1
        %convert_element_type3A_214 = arith.extui %or3A_213 : i1 to i32
        %cond3A_215 = arith.constant 0 : i32
        %cond3A_216 = arith.cmpi ne, %convert_element_type3A_214, %cond3A_215 : i32
        scf.if %cond3A_216 {
          "tpu.trace_start"() <{level = 10 : i32, message = "ep_copy_out"}> : () -> ()
          %rem3A_264 = arith.constant 2 : i32
          %rem3A_265 = arith.remui %scan3A_124, %rem3A_264 : i32
          %mul3A_266 = arith.constant 128 : i32
          %mul3A_267 = arith.muli %mul3A_266, %add3A_131 : i32
          %dma_start3A_268 = arith.constant 0 : i32
          %dma_start3A_269 = arith.constant 0 : i32
          %dma_start3A_270 = tpu.memref_slice %run_scoped3A_8[%rem3A_265, %dma_start3A_268, %dma_start3A_269] : memref<2x128x128xf32, #tpu.memory_space<vmem>> -> memref<1x128x128xf32, #tpu.memory_space<vmem>>
          %dma_start3A_271 = tpu.memref_squeeze %dma_start3A_270 : memref<1x128x128xf32, #tpu.memory_space<vmem>> -> memref<128x128xf32, #tpu.memory_space<vmem>>
          %dma_start3A_272 = arith.constant 0 : i32
          %dma_start3A_273 = tpu.memref_slice %arg4[%mul3A_267, %dma_start3A_272] : memref<425984x128xf32, #tpu.memory_space<hbm>> -> memref<128x128xf32, #tpu.memory_space<hbm>>
          %dma_start3A_274 = tpu.memref_slice %run_scoped3A_9[%rem3A_265] : memref<2x!tpu.dma_semaphore, #tpu.memory_space<semaphore_mem>> -> memref<1x!tpu.dma_semaphore, #tpu.memory_space<semaphore_mem>>
          %dma_start3A_275 = tpu.memref_squeeze %dma_start3A_274 : memref<1x!tpu.dma_semaphore, #tpu.memory_space<semaphore_mem>> -> memref<!tpu.dma_semaphore, #tpu.memory_space<semaphore_mem>>
          %dma_start3A_276 = arith.constant 0 : i32
          %dma_start3A_277 = tpu.memref_slice %arg4[%mul3A_267, %dma_start3A_276] : memref<425984x128xf32, #tpu.memory_space<hbm>> -> memref<128x128xf32, #tpu.memory_space<hbm>>
          %dma_start3A_278 = arith.constant 0 : i32
          %dma_start3A_279 = arith.constant 0 : i32
          %dma_start3A_280 = tpu.memref_slice %run_scoped3A_8[%rem3A_265, %dma_start3A_278, %dma_start3A_279] : memref<2x128x128xf32, #tpu.memory_space<vmem>> -> memref<1x128x128xf32, #tpu.memory_space<vmem>>
          %dma_start3A_281 = tpu.memref_squeeze %dma_start3A_280 : memref<1x128x128xf32, #tpu.memory_space<vmem>> -> memref<128x128xf32, #tpu.memory_space<vmem>>
          tpu.enqueue_dma source(%dma_start3A_281 : memref<128x128xf32, #tpu.memory_space<vmem>>) target(%dma_start3A_277 : memref<128x128xf32, #tpu.memory_space<hbm>>) target_semaphore(%dma_start3A_275 : memref<!tpu.dma_semaphore, #tpu.memory_space<semaphore_mem>>)
          "tpu.trace_stop"() : () -> ()
        } else {
        }
        %and3A_217 = arith.constant true
        %and3A_218 = arith.andi %or3A_213, %and3A_217 : i1
        %add3A_219 = arith.constant 1 : i32
        %add3A_220 = arith.addi %scan3A_124, %add3A_219 : i32
        %select_n3A_221 = arith.select %and3A_218, %add3A_220, %scan3A_124 : i32
        %ne3A_222 = arith.cmpi ne, %add3A_131, %add3A_140 : i32
        %or3A_223 = arith.constant false
        %or3A_224 = arith.ori %or3A_223, %ne3A_222 : i1
        %not3A_225 = arith.constant true
        %not3A_226 = arith.xori %eq3A_128, %not3A_225 : i1
        %and3A_227 = arith.andi %or3A_224, %not3A_226 : i1
        %convert_element_type3A_228 = arith.extui %and3A_227 : i1 to i32
        %cond3A_229 = arith.constant 0 : i32
        %cond3A_230 = arith.cmpi ne, %convert_element_type3A_228, %cond3A_229 : i32
        scf.if %cond3A_230 {
        } else {
        }
        %and3A_231 = arith.constant false
        %and3A_232 = arith.andi %and3A_227, %and3A_231 : i1
        %ne3A_233 = arith.cmpi ne, %add3A_131, %add3A_140 : i32
        %or3A_234 = arith.constant false
        %or3A_235 = arith.ori %or3A_234, %ne3A_233 : i1
        %or3A_236 = arith.constant false
        %or3A_237 = arith.ori %or3A_235, %or3A_236 : i1
        %not3A_238 = arith.constant true
        %not3A_239 = arith.xori %eq3A_128, %not3A_238 : i1
        %and3A_240 = arith.andi %or3A_237, %not3A_239 : i1
        %convert_element_type3A_241 = arith.extui %and3A_240 : i1 to i32
        %cond3A_242 = arith.constant 0 : i32
        %cond3A_243 = arith.cmpi ne, %convert_element_type3A_241, %cond3A_242 : i32
        scf.if %cond3A_243 {
          "tpu.trace_start"() <{level = 10 : i32, message = "ep_wait_out"}> : () -> ()
          %rem3A_264 = arith.constant 2 : i32
          %rem3A_265 = arith.remui %scan3A_125, %rem3A_264 : i32
          %mul3A_266 = arith.constant 128 : i32
          %mul3A_267 = arith.muli %mul3A_266, %add3A_140 : i32
          %dma_wait3A_268 = arith.constant 0 : i32
          %dma_wait3A_269 = arith.constant 0 : i32
          %dma_wait3A_270 = tpu.memref_slice %run_scoped3A_8[%rem3A_265, %dma_wait3A_268, %dma_wait3A_269] : memref<2x128x128xf32, #tpu.memory_space<vmem>> -> memref<1x128x128xf32, #tpu.memory_space<vmem>>
          %dma_wait3A_271 = tpu.memref_squeeze %dma_wait3A_270 : memref<1x128x128xf32, #tpu.memory_space<vmem>> -> memref<128x128xf32, #tpu.memory_space<vmem>>
          %dma_wait3A_272 = arith.constant 0 : i32
          %dma_wait3A_273 = tpu.memref_slice %arg4[%mul3A_267, %dma_wait3A_272] : memref<425984x128xf32, #tpu.memory_space<hbm>> -> memref<128x128xf32, #tpu.memory_space<hbm>>
          %dma_wait3A_274 = tpu.memref_slice %run_scoped3A_9[%rem3A_265] : memref<2x!tpu.dma_semaphore, #tpu.memory_space<semaphore_mem>> -> memref<1x!tpu.dma_semaphore, #tpu.memory_space<semaphore_mem>>
          %dma_wait3A_275 = tpu.memref_squeeze %dma_wait3A_274 : memref<1x!tpu.dma_semaphore, #tpu.memory_space<semaphore_mem>> -> memref<!tpu.dma_semaphore, #tpu.memory_space<semaphore_mem>>
          %dma_wait3A_276 = arith.constant 0 : i32
          %dma_wait3A_277 = tpu.memref_slice %arg4[%mul3A_267, %dma_wait3A_276] : memref<425984x128xf32, #tpu.memory_space<hbm>> -> memref<128x128xf32, #tpu.memory_space<hbm>>
          %dma_wait3A_278 = arith.constant 0 : i32
          %dma_wait3A_279 = arith.constant 0 : i32
          %dma_wait3A_280 = tpu.memref_slice %run_scoped3A_8[%rem3A_265, %dma_wait3A_278, %dma_wait3A_279] : memref<2x128x128xf32, #tpu.memory_space<vmem>> -> memref<1x128x128xf32, #tpu.memory_space<vmem>>
          %dma_wait3A_281 = tpu.memref_squeeze %dma_wait3A_280 : memref<1x128x128xf32, #tpu.memory_space<vmem>> -> memref<128x128xf32, #tpu.memory_space<vmem>>
          tpu.wait_dma2 semaphore(%dma_wait3A_275 : memref<!tpu.dma_semaphore, #tpu.memory_space<semaphore_mem>>) src(%dma_wait3A_281 : memref<128x128xf32, #tpu.memory_space<vmem>>) dst(%dma_wait3A_277 : memref<128x128xf32, #tpu.memory_space<hbm>>)
          "tpu.trace_stop"() : () -> ()
        } else {
        }
        %and3A_244 = arith.constant true
        %and3A_245 = arith.andi %and3A_240, %and3A_244 : i1
        %add3A_246 = arith.constant 1 : i32
        %add3A_247 = arith.addi %scan3A_125, %add3A_246 : i32
        %select_n3A_248 = arith.select %and3A_245, %add3A_247, %scan3A_125 : i32
        %ne3A_249 = arith.cmpi ne, %add3A_131, %add3A_149 : i32
        %or3A_250 = arith.constant false
        %or3A_251 = arith.ori %or3A_250, %ne3A_249 : i1
        %or3A_252 = arith.ori %or3A_251, %eq3A_130 : i1
        %add3A_253 = arith.constant 1 : i32
        %add3A_254 = arith.addi %scan3A_123, %add3A_253 : i32
        %select_n3A_255 = arith.select %or3A_252, %add3A_254, %scan3A_123 : i32
        %add3A_256 = arith.constant 1 : i32
        %add3A_257 = arith.addi %scan3A_126, %add3A_256 : i32
        %select_n3A_258 = arith.constant true
        %select_n3A_259 = arith.select %select_n3A_258, %add3A_257, %scan3A_126 : i32
        %eq3A_260 = arith.constant 104 : i32
        %eq3A_261 = arith.cmpi eq, %select_n3A_259, %eq3A_260 : i32
        %select_n3A_262 = arith.constant 0 : i32
        %select_n3A_263 = arith.select %eq3A_261, %select_n3A_262, %select_n3A_259 : i32
        scf.yield %select_n3A_167, %select_n3A_255, %select_n3A_221, %select_n3A_248, %select_n3A_263 : i32, i32, i32, i32, i32
      }
      %scan3A_68 = arith.constant 104 : i32
      %sub3A = arith.constant 1 : i32
      %sub3A_69 = arith.subi %scan3A_67#4, %sub3A : i32
      %select_n3A_70 = arith.constant true
      %select_n3A_71 = arith.select %select_n3A_70, %sub3A_69, %scan3A_67#4 : i32
      %eq3A_72 = arith.constant -1 : i32
      %eq3A_73 = arith.cmpi eq, %select_n3A_71, %eq3A_72 : i32
      %select_n3A_74 = arith.constant 103 : i32
      %select_n3A_75 = arith.select %eq3A_73, %select_n3A_74, %select_n3A_71 : i32
      %add3A_76 = arith.addi %select_n3A_75, %mul3A_6 : i32
      %sub3A_77 = arith.constant 1 : i32
      %sub3A_78 = arith.subi %select_n3A_75, %sub3A_77 : i32
      %select_n3A_79 = arith.constant true
      %select_n3A_80 = arith.select %select_n3A_79, %sub3A_78, %select_n3A_75 : i32
      %eq3A_81 = arith.constant -1 : i32
      %eq3A_82 = arith.cmpi eq, %select_n3A_80, %eq3A_81 : i32
      %select_n3A_83 = arith.constant 103 : i32
      %select_n3A_84 = arith.select %eq3A_82, %select_n3A_83, %select_n3A_80 : i32
      %add3A_85 = arith.addi %select_n3A_84, %mul3A_6 : i32
      %add3A_86 = arith.constant 1 : i32
      %add3A_87 = arith.addi %select_n3A_75, %add3A_86 : i32
      %select_n3A_88 = arith.constant true
      %select_n3A_89 = arith.select %select_n3A_88, %add3A_87, %select_n3A_75 : i32
      %eq3A_90 = arith.constant 104 : i32
      %eq3A_91 = arith.cmpi eq, %select_n3A_89, %eq3A_90 : i32
      %select_n3A_92 = arith.constant 0 : i32
      %select_n3A_93 = arith.select %eq3A_91, %select_n3A_92, %select_n3A_89 : i32
      %add3A_94 = arith.addi %select_n3A_93, %mul3A_6 : i32
      %add3A_95 = arith.constant 1 : i32
      %add3A_96 = arith.addi %select_n3A_93, %add3A_95 : i32
      %select_n3A_97 = arith.constant true
      %select_n3A_98 = arith.select %select_n3A_97, %add3A_96, %select_n3A_93 : i32
      %eq3A_99 = arith.constant 104 : i32
      %eq3A_100 = arith.cmpi eq, %select_n3A_98, %eq3A_99 : i32
      %select_n3A_101 = arith.constant 0 : i32
      %select_n3A_102 = arith.select %eq3A_100, %select_n3A_101, %select_n3A_98 : i32
      %add3A_103 = arith.addi %select_n3A_102, %mul3A_6 : i32
      "tpu.trace_start"() <{level = 10 : i32, message = "ep_finalize"}> : () -> ()
      %rem3A_104 = arith.constant 2 : i32
      %rem3A_105 = arith.remui %scan3A_67#3, %rem3A_104 : i32
      %mul3A_106 = arith.constant 128 : i32
      %mul3A_107 = arith.muli %mul3A_106, %add3A_76 : i32
      %dma_wait3A = arith.constant 0 : i32
      %dma_wait3A_108 = arith.constant 0 : i32
      %dma_wait3A_109 = tpu.memref_slice %run_scoped3A_8[%rem3A_105, %dma_wait3A, %dma_wait3A_108] : memref<2x128x128xf32, #tpu.memory_space<vmem>> -> memref<1x128x128xf32, #tpu.memory_space<vmem>>
      %dma_wait3A_110 = tpu.memref_squeeze %dma_wait3A_109 : memref<1x128x128xf32, #tpu.memory_space<vmem>> -> memref<128x128xf32, #tpu.memory_space<vmem>>
      %dma_wait3A_111 = arith.constant 0 : i32
      %dma_wait3A_112 = tpu.memref_slice %arg4[%mul3A_107, %dma_wait3A_111] : memref<425984x128xf32, #tpu.memory_space<hbm>> -> memref<128x128xf32, #tpu.memory_space<hbm>>
      %dma_wait3A_113 = tpu.memref_slice %run_scoped3A_9[%rem3A_105] : memref<2x!tpu.dma_semaphore, #tpu.memory_space<semaphore_mem>> -> memref<1x!tpu.dma_semaphore, #tpu.memory_space<semaphore_mem>>
      %dma_wait3A_114 = tpu.memref_squeeze %dma_wait3A_113 : memref<1x!tpu.dma_semaphore, #tpu.memory_space<semaphore_mem>> -> memref<!tpu.dma_semaphore, #tpu.memory_space<semaphore_mem>>
      %dma_wait3A_115 = arith.constant 0 : i32
      %dma_wait3A_116 = tpu.memref_slice %arg4[%mul3A_107, %dma_wait3A_115] : memref<425984x128xf32, #tpu.memory_space<hbm>> -> memref<128x128xf32, #tpu.memory_space<hbm>>
      %dma_wait3A_117 = arith.constant 0 : i32
      %dma_wait3A_118 = arith.constant 0 : i32
      %dma_wait3A_119 = tpu.memref_slice %run_scoped3A_8[%rem3A_105, %dma_wait3A_117, %dma_wait3A_118] : memref<2x128x128xf32, #tpu.memory_space<vmem>> -> memref<1x128x128xf32, #tpu.memory_space<vmem>>
      %dma_wait3A_120 = tpu.memref_squeeze %dma_wait3A_119 : memref<1x128x128xf32, #tpu.memory_space<vmem>> -> memref<128x128xf32, #tpu.memory_space<vmem>>
      tpu.wait_dma2 semaphore(%dma_wait3A_114 : memref<!tpu.dma_semaphore, #tpu.memory_space<semaphore_mem>>) src(%dma_wait3A_120 : memref<128x128xf32, #tpu.memory_space<vmem>>) dst(%dma_wait3A_116 : memref<128x128xf32, #tpu.memory_space<hbm>>)
      "tpu.trace_stop"() : () -> ()
      tpu.yield
    }) : () -> ()
    return
  }
}

module attributes {stable_mosaic.version = 14 : i64} {
  func.func @_repack_body(%arg0: i32, %arg1: memref<20000x64xf32, #tpu.memory_space<vmem>>, %arg2: memref<10000x128xf32, #tpu.memory_space<vmem>>) attributes {dimension_semantics = [#tpu.dimension_semantics<arbitrary>], iteration_bounds = array<i64: 130>, scalar_prefetch = 0 : i64, scratch_operands = 0 : i64, tpu.core_type = #tpu.core_type<tc>, window_params = [{transform_indices = @transform_0, window_bounds = array<i64: 20000, 64>}, {transform_indices = @transform_1, window_bounds = array<i64: 10000, 128>}]} {
    %get3A = arith.constant 0 : index
    %get3A_0 = arith.constant 0 : index
    %get3A_1 = vector.load %arg1[%get3A, %get3A_0] : memref<20000x64xf32, #tpu.memory_space<vmem>>, vector<10000x64xf32>
    %swap3A = arith.constant 0 : index
    %swap3A_2 = arith.constant 0 : index
    %swap3A_3 = vector.load %arg2[%swap3A, %swap3A_2] : memref<10000x128xf32, #tpu.memory_space<vmem>>, vector<10000x64xf32>
    tpu.vector_store %arg2[%swap3A, %swap3A_2], %get3A_1 {strides = array<i32>} : memref<10000x128xf32, #tpu.memory_space<vmem>>, vector<10000x64xf32>,
    %get3A_4 = arith.constant 10000 : index
    %get3A_5 = arith.constant 0 : index
    %get3A_6 = vector.load %arg1[%get3A_4, %get3A_5] : memref<20000x64xf32, #tpu.memory_space<vmem>>, vector<10000x64xf32>
    %swap3A_7 = arith.constant 0 : index
    %swap3A_8 = arith.constant 64 : index
    %swap3A_9 = vector.load %arg2[%swap3A_7, %swap3A_8] : memref<10000x128xf32, #tpu.memory_space<vmem>>, vector<10000x64xf32>
    tpu.vector_store %arg2[%swap3A_7, %swap3A_8], %get3A_6 {strides = array<i32>} : memref<10000x128xf32, #tpu.memory_space<vmem>>, vector<10000x64xf32>,
    return
  }
  func.func @transform_0(%arg0: i32) -> (i32, i32) {
    %c0_i32 = arith.constant 0 : i32
    %c0_i32_0 = arith.constant 0 : i32
    return %arg0, %c0_i32 : i32, i32
  }
  func.func @transform_1(%arg0: i32) -> (i32, i32) {
    %c0_i32 = arith.constant 0 : i32
    %c0_i32_0 = arith.constant 0 : i32
    return %arg0, %c0_i32 : i32, i32
  }
}

module attributes {stable_mosaic.version = 14 : i64} {
  func.func @_tc_body(%arg0: i32, %arg1: memref<13x256xf32, #tpu.memory_space<vmem>>, %arg2: memref<26x256x128xf32, #tpu.memory_space<vmem>>, %arg3: memref<26x1x256xf32, #tpu.memory_space<vmem>>, %arg4: memref<512x13xf32, #tpu.memory_space<vmem>>, %arg5: memref<512x1xf32, #tpu.memory_space<vmem>>, %arg6: memref<256x512xf32, #tpu.memory_space<vmem>>, %arg7: memref<256x1xf32, #tpu.memory_space<vmem>>, %arg8: memref<64x256xf32, #tpu.memory_space<vmem>>, %arg9: memref<64x1xf32, #tpu.memory_space<vmem>>, %arg10: memref<1024x415xf32, #tpu.memory_space<vmem>>, %arg11: memref<1024x1xf32, #tpu.memory_space<vmem>>, %arg12: memref<1024x1024xf32, #tpu.memory_space<vmem>>, %arg13: memref<1024x1xf32, #tpu.memory_space<vmem>>, %arg14: memref<512x1024xf32, #tpu.memory_space<vmem>>, %arg15: memref<512x1xf32, #tpu.memory_space<vmem>>, %arg16: memref<256x512xf32, #tpu.memory_space<vmem>>, %arg17: memref<256x1xf32, #tpu.memory_space<vmem>>, %arg18: memref<1x256xf32, #tpu.memory_space<vmem>>, %arg19: memref<1x1xf32, #tpu.memory_space<vmem>>, %arg20: memref<1x256xf32, #tpu.memory_space<vmem>>) attributes {dimension_semantics = [#tpu.dimension_semantics<arbitrary>], iteration_bounds = array<i64: 64>, scalar_prefetch = 0 : i64, scratch_operands = 0 : i64, tpu.core_type = #tpu.core_type<tc>, window_params = [{transform_indices = @transform_0, window_bounds = array<i64: 13, 256>}, {transform_indices = @transform_1, window_bounds = array<i64: 26, 256, 128>}, {transform_indices = @transform_2, window_bounds = array<i64: 26, 1, 256>}, {pipeline_mode = #tpu.pipeline_mode<synchronous>, transform_indices = @transform_3, window_bounds = array<i64: 512, 13>}, {pipeline_mode = #tpu.pipeline_mode<synchronous>, transform_indices = @transform_4, window_bounds = array<i64: 512, 1>}, {pipeline_mode = #tpu.pipeline_mode<synchronous>, transform_indices = @transform_5, window_bounds = array<i64: 256, 512>}, {pipeline_mode = #tpu.pipeline_mode<synchronous>, transform_indices = @transform_6, window_bounds = array<i64: 256, 1>}, {pipeline_mode = #tpu.pipeline_mode<synchronous>, transform_indices = @transform_7, window_bounds = array<i64: 64, 256>}, {pipeline_mode = #tpu.pipeline_mode<synchronous>, transform_indices = @transform_8, window_bounds = array<i64: 64, 1>}, {pipeline_mode = #tpu.pipeline_mode<synchronous>, transform_indices = @transform_9, window_bounds = array<i64: 1024, 415>}, {pipeline_mode = #tpu.pipeline_mode<synchronous>, transform_indices = @transform_10, window_bounds = array<i64: 1024, 1>}, {pipeline_mode = #tpu.pipeline_mode<synchronous>, transform_indices = @transform_11, window_bounds = array<i64: 1024, 1024>}, {pipeline_mode = #tpu.pipeline_mode<synchronous>, transform_indices = @transform_12, window_bounds = array<i64: 1024, 1>}, {pipeline_mode = #tpu.pipeline_mode<synchronous>, transform_indices = @transform_13, window_bounds = array<i64: 512, 1024>}, {pipeline_mode = #tpu.pipeline_mode<synchronous>, transform_indices = @transform_14, window_bounds = array<i64: 512, 1>}, {pipeline_mode = #tpu.pipeline_mode<synchronous>, transform_indices = @transform_15, window_bounds = array<i64: 256, 512>}, {pipeline_mode = #tpu.pipeline_mode<synchronous>, transform_indices = @transform_16, window_bounds = array<i64: 256, 1>}, {pipeline_mode = #tpu.pipeline_mode<synchronous>, transform_indices = @transform_17, window_bounds = array<i64: 1, 256>}, {pipeline_mode = #tpu.pipeline_mode<synchronous>, transform_indices = @transform_18, window_bounds = array<i64: 1, 1>}, {transform_indices = @transform_19, window_bounds = array<i64: 1, 256>}]} {
    %get3A = arith.constant 0 : index
    %get3A_0 = arith.constant 0 : index
    %get3A_1 = vector.load %arg1[%get3A, %get3A_0] : memref<13x256xf32, #tpu.memory_space<vmem>>, vector<13x256xf32>
    %get3A_2 = arith.constant 0 : index
    %get3A_3 = arith.constant 0 : index
    %get3A_4 = vector.load %arg4[%get3A_2, %get3A_3] : memref<512x13xf32, #tpu.memory_space<vmem>>, vector<512x13xf32>
    %dot_general3A = arith.constant dense<0.000000e+00> : vector<512x256xf32>
    %dot_general3A_5 = tpu.matmul %get3A_4, %get3A_1, %dot_general3A {dimension_numbers = #tpu.dot_dimension_numbers<[1], [0], [0], [1], [0, 0, 1, 1], [], []>, transpose_lhs_hint = false} : vector<512x13xf32>, vector<13x256xf32>, vector<512x256xf32> -> vector<512x256xf32>
    %get3A_6 = arith.constant 0 : index
    %get3A_7 = arith.constant 0 : index
    %get3A_8 = vector.load %arg5[%get3A_6, %get3A_7] : memref<512x1xf32, #tpu.memory_space<vmem>>, vector<512x1xf32>
    %add3A = vector.broadcast %get3A_8 : vector<512x1xf32> to vector<512x256xf32>
    %add3A_9 = arith.addf %dot_general3A_5, %add3A : vector<512x256xf32>
    %max3A = arith.constant 0.000000e+00 : f32
    %max3A_10 = vector.broadcast %max3A : f32 to vector<512x256xf32>
    %max3A_11 = arith.maximumf %add3A_9, %max3A_10 : vector<512x256xf32>
    %get3A_12 = arith.constant 0 : index
    %get3A_13 = arith.constant 0 : index
    %get3A_14 = vector.load %arg6[%get3A_12, %get3A_13] : memref<256x512xf32, #tpu.memory_space<vmem>>, vector<256x512xf32>
    %dot_general3A_15 = arith.constant dense<0.000000e+00> : vector<256x256xf32>
    %dot_general3A_16 = tpu.matmul %get3A_14, %max3A_11, %dot_general3A_15 {dimension_numbers = #tpu.dot_dimension_numbers<[1], [0], [0], [1], [0, 0, 1, 1], [], []>, transpose_lhs_hint = false} : vector<256x512xf32>, vector<512x256xf32>, vector<256x256xf32> -> vector<256x256xf32>
    %get3A_17 = arith.constant 0 : index
    %get3A_18 = arith.constant 0 : index
    %get3A_19 = vector.load %arg7[%get3A_17, %get3A_18] : memref<256x1xf32, #tpu.memory_space<vmem>>, vector<256x1xf32>
    %add3A_20 = vector.broadcast %get3A_19 : vector<256x1xf32> to vector<256x256xf32>
    %add3A_21 = arith.addf %dot_general3A_16, %add3A_20 : vector<256x256xf32>
    %max3A_22 = arith.constant 0.000000e+00 : f32
    %max3A_23 = vector.broadcast %max3A_22 : f32 to vector<256x256xf32>
    %max3A_24 = arith.maximumf %add3A_21, %max3A_23 : vector<256x256xf32>
    %get3A_25 = arith.constant 0 : index
    %get3A_26 = arith.constant 0 : index
    %get3A_27 = vector.load %arg8[%get3A_25, %get3A_26] : memref<64x256xf32, #tpu.memory_space<vmem>>, vector<64x256xf32>
    %dot_general3A_28 = arith.constant dense<0.000000e+00> : vector<64x256xf32>
    %dot_general3A_29 = tpu.matmul %get3A_27, %max3A_24, %dot_general3A_28 {dimension_numbers = #tpu.dot_dimension_numbers<[1], [0], [0], [1], [0, 0, 1, 1], [], []>, transpose_lhs_hint = false} : vector<64x256xf32>, vector<256x256xf32>, vector<64x256xf32> -> vector<64x256xf32>
    %get3A_30 = arith.constant 0 : index
    %get3A_31 = arith.constant 0 : index
    %get3A_32 = vector.load %arg9[%get3A_30, %get3A_31] : memref<64x1xf32, #tpu.memory_space<vmem>>, vector<64x1xf32>
    %add3A_33 = vector.broadcast %get3A_32 : vector<64x1xf32> to vector<64x256xf32>
    %add3A_34 = arith.addf %dot_general3A_29, %add3A_33 : vector<64x256xf32>
    %max3A_35 = arith.constant 0.000000e+00 : f32
    %max3A_36 = vector.broadcast %max3A_35 : f32 to vector<64x256xf32>
    %max3A_37 = arith.maximumf %add3A_34, %max3A_36 : vector<64x256xf32>
    %get3A_38 = arith.constant 0 : index
    %get3A_39 = arith.constant 0 : index
    %get3A_40 = arith.constant 0 : index
    %get3A_41 = vector.load %arg2[%get3A_38, %get3A_39, %get3A_40] : memref<26x256x128xf32, #tpu.memory_space<vmem>>, vector<1x256x128xf32>
    %get3A_42 = vector.shape_cast %get3A_41 : vector<1x256x128xf32> to vector<256x128xf32>
    %transpose3A = tpu.transpose %get3A_42, [1, 0] : vector<256x128xf32> -> vector<128x256xf32>
    %get3A_43 = arith.constant 0 : index
    %get3A_44 = arith.constant 0 : index
    %get3A_45 = arith.constant 0 : index
    %get3A_46 = vector.load %arg3[%get3A_43, %get3A_44, %get3A_45] : memref<26x1x256xf32, #tpu.memory_space<vmem>>, vector<1x1x256xf32>
    %get3A_47 = vector.shape_cast %get3A_46 : vector<1x1x256xf32> to vector<1x256xf32>
    %slice3A = vector.extract_strided_slice %transpose3A {offsets = [0, 0], sizes = [64, 256], strides = [1, 1]} : vector<128x256xf32> to vector<64x256xf32>
    %slice3A_48 = vector.extract_strided_slice %transpose3A {offsets = [64, 0], sizes = [64, 256], strides = [1, 1]} : vector<128x256xf32> to vector<64x256xf32>
    %slice3A_49 = vector.extract_strided_slice %transpose3A {offsets = [0, 0], sizes = [64, 256], strides = [1, 1]} : vector<128x256xf32> to vector<64x256xf32>
    %sub3A = arith.subf %slice3A_48, %slice3A_49 : vector<64x256xf32>
    %mul3A = vector.broadcast %get3A_47 : vector<1x256xf32> to vector<64x256xf32>
    %mul3A_50 = arith.mulf %mul3A, %sub3A : vector<64x256xf32>
    %add3A_51 = arith.addf %slice3A, %mul3A_50 : vector<64x256xf32>
    %get3A_52 = arith.constant 1 : index
    %get3A_53 = arith.constant 0 : index
    %get3A_54 = arith.constant 0 : index
    %get3A_55 = vector.load %arg2[%get3A_52, %get3A_53, %get3A_54] : memref<26x256x128xf32, #tpu.memory_space<vmem>>, vector<1x256x128xf32>
    %get3A_56 = vector.shape_cast %get3A_55 : vector<1x256x128xf32> to vector<256x128xf32>
    %transpose3A_57 = tpu.transpose %get3A_56, [1, 0] : vector<256x128xf32> -> vector<128x256xf32>
    %get3A_58 = arith.constant 1 : index
    %get3A_59 = arith.constant 0 : index
    %get3A_60 = arith.constant 0 : index
    %get3A_61 = vector.load %arg3[%get3A_58, %get3A_59, %get3A_60] : memref<26x1x256xf32, #tpu.memory_space<vmem>>, vector<1x1x256xf32>
    %get3A_62 = vector.shape_cast %get3A_61 : vector<1x1x256xf32> to vector<1x256xf32>
    %slice3A_63 = vector.extract_strided_slice %transpose3A_57 {offsets = [0, 0], sizes = [64, 256], strides = [1, 1]} : vector<128x256xf32> to vector<64x256xf32>
    %slice3A_64 = vector.extract_strided_slice %transpose3A_57 {offsets = [64, 0], sizes = [64, 256], strides = [1, 1]} : vector<128x256xf32> to vector<64x256xf32>
    %slice3A_65 = vector.extract_strided_slice %transpose3A_57 {offsets = [0, 0], sizes = [64, 256], strides = [1, 1]} : vector<128x256xf32> to vector<64x256xf32>
    %sub3A_66 = arith.subf %slice3A_64, %slice3A_65 : vector<64x256xf32>
    %mul3A_67 = vector.broadcast %get3A_62 : vector<1x256xf32> to vector<64x256xf32>
    %mul3A_68 = arith.mulf %mul3A_67, %sub3A_66 : vector<64x256xf32>
    %add3A_69 = arith.addf %slice3A_63, %mul3A_68 : vector<64x256xf32>
    %get3A_70 = arith.constant 2 : index
    %get3A_71 = arith.constant 0 : index
    %get3A_72 = arith.constant 0 : index
    %get3A_73 = vector.load %arg2[%get3A_70, %get3A_71, %get3A_72] : memref<26x256x128xf32, #tpu.memory_space<vmem>>, vector<1x256x128xf32>
    %get3A_74 = vector.shape_cast %get3A_73 : vector<1x256x128xf32> to vector<256x128xf32>
    %transpose3A_75 = tpu.transpose %get3A_74, [1, 0] : vector<256x128xf32> -> vector<128x256xf32>
    %get3A_76 = arith.constant 2 : index
    %get3A_77 = arith.constant 0 : index
    %get3A_78 = arith.constant 0 : index
    %get3A_79 = vector.load %arg3[%get3A_76, %get3A_77, %get3A_78] : memref<26x1x256xf32, #tpu.memory_space<vmem>>, vector<1x1x256xf32>
    %get3A_80 = vector.shape_cast %get3A_79 : vector<1x1x256xf32> to vector<1x256xf32>
    %slice3A_81 = vector.extract_strided_slice %transpose3A_75 {offsets = [0, 0], sizes = [64, 256], strides = [1, 1]} : vector<128x256xf32> to vector<64x256xf32>
    %slice3A_82 = vector.extract_strided_slice %transpose3A_75 {offsets = [64, 0], sizes = [64, 256], strides = [1, 1]} : vector<128x256xf32> to vector<64x256xf32>
    %slice3A_83 = vector.extract_strided_slice %transpose3A_75 {offsets = [0, 0], sizes = [64, 256], strides = [1, 1]} : vector<128x256xf32> to vector<64x256xf32>
    %sub3A_84 = arith.subf %slice3A_82, %slice3A_83 : vector<64x256xf32>
    %mul3A_85 = vector.broadcast %get3A_80 : vector<1x256xf32> to vector<64x256xf32>
    %mul3A_86 = arith.mulf %mul3A_85, %sub3A_84 : vector<64x256xf32>
    %add3A_87 = arith.addf %slice3A_81, %mul3A_86 : vector<64x256xf32>
    %get3A_88 = arith.constant 3 : index
    %get3A_89 = arith.constant 0 : index
    %get3A_90 = arith.constant 0 : index
    %get3A_91 = vector.load %arg2[%get3A_88, %get3A_89, %get3A_90] : memref<26x256x128xf32, #tpu.memory_space<vmem>>, vector<1x256x128xf32>
    %get3A_92 = vector.shape_cast %get3A_91 : vector<1x256x128xf32> to vector<256x128xf32>
    %transpose3A_93 = tpu.transpose %get3A_92, [1, 0] : vector<256x128xf32> -> vector<128x256xf32>
    %get3A_94 = arith.constant 3 : index
    %get3A_95 = arith.constant 0 : index
    %get3A_96 = arith.constant 0 : index
    %get3A_97 = vector.load %arg3[%get3A_94, %get3A_95, %get3A_96] : memref<26x1x256xf32, #tpu.memory_space<vmem>>, vector<1x1x256xf32>
    %get3A_98 = vector.shape_cast %get3A_97 : vector<1x1x256xf32> to vector<1x256xf32>
    %slice3A_99 = vector.extract_strided_slice %transpose3A_93 {offsets = [0, 0], sizes = [64, 256], strides = [1, 1]} : vector<128x256xf32> to vector<64x256xf32>
    %slice3A_100 = vector.extract_strided_slice %transpose3A_93 {offsets = [64, 0], sizes = [64, 256], strides = [1, 1]} : vector<128x256xf32> to vector<64x256xf32>
    %slice3A_101 = vector.extract_strided_slice %transpose3A_93 {offsets = [0, 0], sizes = [64, 256], strides = [1, 1]} : vector<128x256xf32> to vector<64x256xf32>
    %sub3A_102 = arith.subf %slice3A_100, %slice3A_101 : vector<64x256xf32>
    %mul3A_103 = vector.broadcast %get3A_98 : vector<1x256xf32> to vector<64x256xf32>
    %mul3A_104 = arith.mulf %mul3A_103, %sub3A_102 : vector<64x256xf32>
    %add3A_105 = arith.addf %slice3A_99, %mul3A_104 : vector<64x256xf32>
    %get3A_106 = arith.constant 4 : index
    %get3A_107 = arith.constant 0 : index
    %get3A_108 = arith.constant 0 : index
    %get3A_109 = vector.load %arg2[%get3A_106, %get3A_107, %get3A_108] : memref<26x256x128xf32, #tpu.memory_space<vmem>>, vector<1x256x128xf32>
    %get3A_110 = vector.shape_cast %get3A_109 : vector<1x256x128xf32> to vector<256x128xf32>
    %transpose3A_111 = tpu.transpose %get3A_110, [1, 0] : vector<256x128xf32> -> vector<128x256xf32>
    %get3A_112 = arith.constant 4 : index
    %get3A_113 = arith.constant 0 : index
    %get3A_114 = arith.constant 0 : index
    %get3A_115 = vector.load %arg3[%get3A_112, %get3A_113, %get3A_114] : memref<26x1x256xf32, #tpu.memory_space<vmem>>, vector<1x1x256xf32>
    %get3A_116 = vector.shape_cast %get3A_115 : vector<1x1x256xf32> to vector<1x256xf32>
    %slice3A_117 = vector.extract_strided_slice %transpose3A_111 {offsets = [0, 0], sizes = [64, 256], strides = [1, 1]} : vector<128x256xf32> to vector<64x256xf32>
    %slice3A_118 = vector.extract_strided_slice %transpose3A_111 {offsets = [64, 0], sizes = [64, 256], strides = [1, 1]} : vector<128x256xf32> to vector<64x256xf32>
    %slice3A_119 = vector.extract_strided_slice %transpose3A_111 {offsets = [0, 0], sizes = [64, 256], strides = [1, 1]} : vector<128x256xf32> to vector<64x256xf32>
    %sub3A_120 = arith.subf %slice3A_118, %slice3A_119 : vector<64x256xf32>
    %mul3A_121 = vector.broadcast %get3A_116 : vector<1x256xf32> to vector<64x256xf32>
    %mul3A_122 = arith.mulf %mul3A_121, %sub3A_120 : vector<64x256xf32>
    %add3A_123 = arith.addf %slice3A_117, %mul3A_122 : vector<64x256xf32>
    %get3A_124 = arith.constant 5 : index
    %get3A_125 = arith.constant 0 : index
    %get3A_126 = arith.constant 0 : index
    %get3A_127 = vector.load %arg2[%get3A_124, %get3A_125, %get3A_126] : memref<26x256x128xf32, #tpu.memory_space<vmem>>, vector<1x256x128xf32>
    %get3A_128 = vector.shape_cast %get3A_127 : vector<1x256x128xf32> to vector<256x128xf32>
    %transpose3A_129 = tpu.transpose %get3A_128, [1, 0] : vector<256x128xf32> -> vector<128x256xf32>
    %get3A_130 = arith.constant 5 : index
    %get3A_131 = arith.constant 0 : index
    %get3A_132 = arith.constant 0 : index
    %get3A_133 = vector.load %arg3[%get3A_130, %get3A_131, %get3A_132] : memref<26x1x256xf32, #tpu.memory_space<vmem>>, vector<1x1x256xf32>
    %get3A_134 = vector.shape_cast %get3A_133 : vector<1x1x256xf32> to vector<1x256xf32>
    %slice3A_135 = vector.extract_strided_slice %transpose3A_129 {offsets = [0, 0], sizes = [64, 256], strides = [1, 1]} : vector<128x256xf32> to vector<64x256xf32>
    %slice3A_136 = vector.extract_strided_slice %transpose3A_129 {offsets = [64, 0], sizes = [64, 256], strides = [1, 1]} : vector<128x256xf32> to vector<64x256xf32>
    %slice3A_137 = vector.extract_strided_slice %transpose3A_129 {offsets = [0, 0], sizes = [64, 256], strides = [1, 1]} : vector<128x256xf32> to vector<64x256xf32>
    %sub3A_138 = arith.subf %slice3A_136, %slice3A_137 : vector<64x256xf32>
    %mul3A_139 = vector.broadcast %get3A_134 : vector<1x256xf32> to vector<64x256xf32>
    %mul3A_140 = arith.mulf %mul3A_139, %sub3A_138 : vector<64x256xf32>
    %add3A_141 = arith.addf %slice3A_135, %mul3A_140 : vector<64x256xf32>
    %get3A_142 = arith.constant 6 : index
    %get3A_143 = arith.constant 0 : index
    %get3A_144 = arith.constant 0 : index
    %get3A_145 = vector.load %arg2[%get3A_142, %get3A_143, %get3A_144] : memref<26x256x128xf32, #tpu.memory_space<vmem>>, vector<1x256x128xf32>
    %get3A_146 = vector.shape_cast %get3A_145 : vector<1x256x128xf32> to vector<256x128xf32>
    %transpose3A_147 = tpu.transpose %get3A_146, [1, 0] : vector<256x128xf32> -> vector<128x256xf32>
    %get3A_148 = arith.constant 6 : index
    %get3A_149 = arith.constant 0 : index
    %get3A_150 = arith.constant 0 : index
    %get3A_151 = vector.load %arg3[%get3A_148, %get3A_149, %get3A_150] : memref<26x1x256xf32, #tpu.memory_space<vmem>>, vector<1x1x256xf32>
    %get3A_152 = vector.shape_cast %get3A_151 : vector<1x1x256xf32> to vector<1x256xf32>
    %slice3A_153 = vector.extract_strided_slice %transpose3A_147 {offsets = [0, 0], sizes = [64, 256], strides = [1, 1]} : vector<128x256xf32> to vector<64x256xf32>
    %slice3A_154 = vector.extract_strided_slice %transpose3A_147 {offsets = [64, 0], sizes = [64, 256], strides = [1, 1]} : vector<128x256xf32> to vector<64x256xf32>
    %slice3A_155 = vector.extract_strided_slice %transpose3A_147 {offsets = [0, 0], sizes = [64, 256], strides = [1, 1]} : vector<128x256xf32> to vector<64x256xf32>
    %sub3A_156 = arith.subf %slice3A_154, %slice3A_155 : vector<64x256xf32>
    %mul3A_157 = vector.broadcast %get3A_152 : vector<1x256xf32> to vector<64x256xf32>
    %mul3A_158 = arith.mulf %mul3A_157, %sub3A_156 : vector<64x256xf32>
    %add3A_159 = arith.addf %slice3A_153, %mul3A_158 : vector<64x256xf32>
    %get3A_160 = arith.constant 7 : index
    %get3A_161 = arith.constant 0 : index
    %get3A_162 = arith.constant 0 : index
    %get3A_163 = vector.load %arg2[%get3A_160, %get3A_161, %get3A_162] : memref<26x256x128xf32, #tpu.memory_space<vmem>>, vector<1x256x128xf32>
    %get3A_164 = vector.shape_cast %get3A_163 : vector<1x256x128xf32> to vector<256x128xf32>
    %transpose3A_165 = tpu.transpose %get3A_164, [1, 0] : vector<256x128xf32> -> vector<128x256xf32>
    %get3A_166 = arith.constant 7 : index
    %get3A_167 = arith.constant 0 : index
    %get3A_168 = arith.constant 0 : index
    %get3A_169 = vector.load %arg3[%get3A_166, %get3A_167, %get3A_168] : memref<26x1x256xf32, #tpu.memory_space<vmem>>, vector<1x1x256xf32>
    %get3A_170 = vector.shape_cast %get3A_169 : vector<1x1x256xf32> to vector<1x256xf32>
    %slice3A_171 = vector.extract_strided_slice %transpose3A_165 {offsets = [0, 0], sizes = [64, 256], strides = [1, 1]} : vector<128x256xf32> to vector<64x256xf32>
    %slice3A_172 = vector.extract_strided_slice %transpose3A_165 {offsets = [64, 0], sizes = [64, 256], strides = [1, 1]} : vector<128x256xf32> to vector<64x256xf32>
    %slice3A_173 = vector.extract_strided_slice %transpose3A_165 {offsets = [0, 0], sizes = [64, 256], strides = [1, 1]} : vector<128x256xf32> to vector<64x256xf32>
    %sub3A_174 = arith.subf %slice3A_172, %slice3A_173 : vector<64x256xf32>
    %mul3A_175 = vector.broadcast %get3A_170 : vector<1x256xf32> to vector<64x256xf32>
    %mul3A_176 = arith.mulf %mul3A_175, %sub3A_174 : vector<64x256xf32>
    %add3A_177 = arith.addf %slice3A_171, %mul3A_176 : vector<64x256xf32>
    %get3A_178 = arith.constant 8 : index
    %get3A_179 = arith.constant 0 : index
    %get3A_180 = arith.constant 0 : index
    %get3A_181 = vector.load %arg2[%get3A_178, %get3A_179, %get3A_180] : memref<26x256x128xf32, #tpu.memory_space<vmem>>, vector<1x256x128xf32>
    %get3A_182 = vector.shape_cast %get3A_181 : vector<1x256x128xf32> to vector<256x128xf32>
    %transpose3A_183 = tpu.transpose %get3A_182, [1, 0] : vector<256x128xf32> -> vector<128x256xf32>
    %get3A_184 = arith.constant 8 : index
    %get3A_185 = arith.constant 0 : index
    %get3A_186 = arith.constant 0 : index
    %get3A_187 = vector.load %arg3[%get3A_184, %get3A_185, %get3A_186] : memref<26x1x256xf32, #tpu.memory_space<vmem>>, vector<1x1x256xf32>
    %get3A_188 = vector.shape_cast %get3A_187 : vector<1x1x256xf32> to vector<1x256xf32>
    %slice3A_189 = vector.extract_strided_slice %transpose3A_183 {offsets = [0, 0], sizes = [64, 256], strides = [1, 1]} : vector<128x256xf32> to vector<64x256xf32>
    %slice3A_190 = vector.extract_strided_slice %transpose3A_183 {offsets = [64, 0], sizes = [64, 256], strides = [1, 1]} : vector<128x256xf32> to vector<64x256xf32>
    %slice3A_191 = vector.extract_strided_slice %transpose3A_183 {offsets = [0, 0], sizes = [64, 256], strides = [1, 1]} : vector<128x256xf32> to vector<64x256xf32>
    %sub3A_192 = arith.subf %slice3A_190, %slice3A_191 : vector<64x256xf32>
    %mul3A_193 = vector.broadcast %get3A_188 : vector<1x256xf32> to vector<64x256xf32>
    %mul3A_194 = arith.mulf %mul3A_193, %sub3A_192 : vector<64x256xf32>
    %add3A_195 = arith.addf %slice3A_189, %mul3A_194 : vector<64x256xf32>
    %get3A_196 = arith.constant 9 : index
    %get3A_197 = arith.constant 0 : index
    %get3A_198 = arith.constant 0 : index
    %get3A_199 = vector.load %arg2[%get3A_196, %get3A_197, %get3A_198] : memref<26x256x128xf32, #tpu.memory_space<vmem>>, vector<1x256x128xf32>
    %get3A_200 = vector.shape_cast %get3A_199 : vector<1x256x128xf32> to vector<256x128xf32>
    %transpose3A_201 = tpu.transpose %get3A_200, [1, 0] : vector<256x128xf32> -> vector<128x256xf32>
    %get3A_202 = arith.constant 9 : index
    %get3A_203 = arith.constant 0 : index
    %get3A_204 = arith.constant 0 : index
    %get3A_205 = vector.load %arg3[%get3A_202, %get3A_203, %get3A_204] : memref<26x1x256xf32, #tpu.memory_space<vmem>>, vector<1x1x256xf32>
    %get3A_206 = vector.shape_cast %get3A_205 : vector<1x1x256xf32> to vector<1x256xf32>
    %slice3A_207 = vector.extract_strided_slice %transpose3A_201 {offsets = [0, 0], sizes = [64, 256], strides = [1, 1]} : vector<128x256xf32> to vector<64x256xf32>
    %slice3A_208 = vector.extract_strided_slice %transpose3A_201 {offsets = [64, 0], sizes = [64, 256], strides = [1, 1]} : vector<128x256xf32> to vector<64x256xf32>
    %slice3A_209 = vector.extract_strided_slice %transpose3A_201 {offsets = [0, 0], sizes = [64, 256], strides = [1, 1]} : vector<128x256xf32> to vector<64x256xf32>
    %sub3A_210 = arith.subf %slice3A_208, %slice3A_209 : vector<64x256xf32>
    %mul3A_211 = vector.broadcast %get3A_206 : vector<1x256xf32> to vector<64x256xf32>
    %mul3A_212 = arith.mulf %mul3A_211, %sub3A_210 : vector<64x256xf32>
    %add3A_213 = arith.addf %slice3A_207, %mul3A_212 : vector<64x256xf32>
    %get3A_214 = arith.constant 10 : index
    %get3A_215 = arith.constant 0 : index
    %get3A_216 = arith.constant 0 : index
    %get3A_217 = vector.load %arg2[%get3A_214, %get3A_215, %get3A_216] : memref<26x256x128xf32, #tpu.memory_space<vmem>>, vector<1x256x128xf32>
    %get3A_218 = vector.shape_cast %get3A_217 : vector<1x256x128xf32> to vector<256x128xf32>
    %transpose3A_219 = tpu.transpose %get3A_218, [1, 0] : vector<256x128xf32> -> vector<128x256xf32>
    %get3A_220 = arith.constant 10 : index
    %get3A_221 = arith.constant 0 : index
    %get3A_222 = arith.constant 0 : index
    %get3A_223 = vector.load %arg3[%get3A_220, %get3A_221, %get3A_222] : memref<26x1x256xf32, #tpu.memory_space<vmem>>, vector<1x1x256xf32>
    %get3A_224 = vector.shape_cast %get3A_223 : vector<1x1x256xf32> to vector<1x256xf32>
    %slice3A_225 = vector.extract_strided_slice %transpose3A_219 {offsets = [0, 0], sizes = [64, 256], strides = [1, 1]} : vector<128x256xf32> to vector<64x256xf32>
    %slice3A_226 = vector.extract_strided_slice %transpose3A_219 {offsets = [64, 0], sizes = [64, 256], strides = [1, 1]} : vector<128x256xf32> to vector<64x256xf32>
    %slice3A_227 = vector.extract_strided_slice %transpose3A_219 {offsets = [0, 0], sizes = [64, 256], strides = [1, 1]} : vector<128x256xf32> to vector<64x256xf32>
    %sub3A_228 = arith.subf %slice3A_226, %slice3A_227 : vector<64x256xf32>
    %mul3A_229 = vector.broadcast %get3A_224 : vector<1x256xf32> to vector<64x256xf32>
    %mul3A_230 = arith.mulf %mul3A_229, %sub3A_228 : vector<64x256xf32>
    %add3A_231 = arith.addf %slice3A_225, %mul3A_230 : vector<64x256xf32>
    %get3A_232 = arith.constant 11 : index
    %get3A_233 = arith.constant 0 : index
    %get3A_234 = arith.constant 0 : index
    %get3A_235 = vector.load %arg2[%get3A_232, %get3A_233, %get3A_234] : memref<26x256x128xf32, #tpu.memory_space<vmem>>, vector<1x256x128xf32>
    %get3A_236 = vector.shape_cast %get3A_235 : vector<1x256x128xf32> to vector<256x128xf32>
    %transpose3A_237 = tpu.transpose %get3A_236, [1, 0] : vector<256x128xf32> -> vector<128x256xf32>
    %get3A_238 = arith.constant 11 : index
    %get3A_239 = arith.constant 0 : index
    %get3A_240 = arith.constant 0 : index
    %get3A_241 = vector.load %arg3[%get3A_238, %get3A_239, %get3A_240] : memref<26x1x256xf32, #tpu.memory_space<vmem>>, vector<1x1x256xf32>
    %get3A_242 = vector.shape_cast %get3A_241 : vector<1x1x256xf32> to vector<1x256xf32>
    %slice3A_243 = vector.extract_strided_slice %transpose3A_237 {offsets = [0, 0], sizes = [64, 256], strides = [1, 1]} : vector<128x256xf32> to vector<64x256xf32>
    %slice3A_244 = vector.extract_strided_slice %transpose3A_237 {offsets = [64, 0], sizes = [64, 256], strides = [1, 1]} : vector<128x256xf32> to vector<64x256xf32>
    %slice3A_245 = vector.extract_strided_slice %transpose3A_237 {offsets = [0, 0], sizes = [64, 256], strides = [1, 1]} : vector<128x256xf32> to vector<64x256xf32>
    %sub3A_246 = arith.subf %slice3A_244, %slice3A_245 : vector<64x256xf32>
    %mul3A_247 = vector.broadcast %get3A_242 : vector<1x256xf32> to vector<64x256xf32>
    %mul3A_248 = arith.mulf %mul3A_247, %sub3A_246 : vector<64x256xf32>
    %add3A_249 = arith.addf %slice3A_243, %mul3A_248 : vector<64x256xf32>
    %get3A_250 = arith.constant 12 : index
    %get3A_251 = arith.constant 0 : index
    %get3A_252 = arith.constant 0 : index
    %get3A_253 = vector.load %arg2[%get3A_250, %get3A_251, %get3A_252] : memref<26x256x128xf32, #tpu.memory_space<vmem>>, vector<1x256x128xf32>
    %get3A_254 = vector.shape_cast %get3A_253 : vector<1x256x128xf32> to vector<256x128xf32>
    %transpose3A_255 = tpu.transpose %get3A_254, [1, 0] : vector<256x128xf32> -> vector<128x256xf32>
    %get3A_256 = arith.constant 12 : index
    %get3A_257 = arith.constant 0 : index
    %get3A_258 = arith.constant 0 : index
    %get3A_259 = vector.load %arg3[%get3A_256, %get3A_257, %get3A_258] : memref<26x1x256xf32, #tpu.memory_space<vmem>>, vector<1x1x256xf32>
    %get3A_260 = vector.shape_cast %get3A_259 : vector<1x1x256xf32> to vector<1x256xf32>
    %slice3A_261 = vector.extract_strided_slice %transpose3A_255 {offsets = [0, 0], sizes = [64, 256], strides = [1, 1]} : vector<128x256xf32> to vector<64x256xf32>
    %slice3A_262 = vector.extract_strided_slice %transpose3A_255 {offsets = [64, 0], sizes = [64, 256], strides = [1, 1]} : vector<128x256xf32> to vector<64x256xf32>
    %slice3A_263 = vector.extract_strided_slice %transpose3A_255 {offsets = [0, 0], sizes = [64, 256], strides = [1, 1]} : vector<128x256xf32> to vector<64x256xf32>
    %sub3A_264 = arith.subf %slice3A_262, %slice3A_263 : vector<64x256xf32>
    %mul3A_265 = vector.broadcast %get3A_260 : vector<1x256xf32> to vector<64x256xf32>
    %mul3A_266 = arith.mulf %mul3A_265, %sub3A_264 : vector<64x256xf32>
    %add3A_267 = arith.addf %slice3A_261, %mul3A_266 : vector<64x256xf32>
    %get3A_268 = arith.constant 13 : index
    %get3A_269 = arith.constant 0 : index
    %get3A_270 = arith.constant 0 : index
    %get3A_271 = vector.load %arg2[%get3A_268, %get3A_269, %get3A_270] : memref<26x256x128xf32, #tpu.memory_space<vmem>>, vector<1x256x128xf32>
    %get3A_272 = vector.shape_cast %get3A_271 : vector<1x256x128xf32> to vector<256x128xf32>
    %transpose3A_273 = tpu.transpose %get3A_272, [1, 0] : vector<256x128xf32> -> vector<128x256xf32>
    %get3A_274 = arith.constant 13 : index
    %get3A_275 = arith.constant 0 : index
    %get3A_276 = arith.constant 0 : index
    %get3A_277 = vector.load %arg3[%get3A_274, %get3A_275, %get3A_276] : memref<26x1x256xf32, #tpu.memory_space<vmem>>, vector<1x1x256xf32>
    %get3A_278 = vector.shape_cast %get3A_277 : vector<1x1x256xf32> to vector<1x256xf32>
    %slice3A_279 = vector.extract_strided_slice %transpose3A_273 {offsets = [0, 0], sizes = [64, 256], strides = [1, 1]} : vector<128x256xf32> to vector<64x256xf32>
    %slice3A_280 = vector.extract_strided_slice %transpose3A_273 {offsets = [64, 0], sizes = [64, 256], strides = [1, 1]} : vector<128x256xf32> to vector<64x256xf32>
    %slice3A_281 = vector.extract_strided_slice %transpose3A_273 {offsets = [0, 0], sizes = [64, 256], strides = [1, 1]} : vector<128x256xf32> to vector<64x256xf32>
    %sub3A_282 = arith.subf %slice3A_280, %slice3A_281 : vector<64x256xf32>
    %mul3A_283 = vector.broadcast %get3A_278 : vector<1x256xf32> to vector<64x256xf32>
    %mul3A_284 = arith.mulf %mul3A_283, %sub3A_282 : vector<64x256xf32>
    %add3A_285 = arith.addf %slice3A_279, %mul3A_284 : vector<64x256xf32>
    %get3A_286 = arith.constant 14 : index
    %get3A_287 = arith.constant 0 : index
    %get3A_288 = arith.constant 0 : index
    %get3A_289 = vector.load %arg2[%get3A_286, %get3A_287, %get3A_288] : memref<26x256x128xf32, #tpu.memory_space<vmem>>, vector<1x256x128xf32>
    %get3A_290 = vector.shape_cast %get3A_289 : vector<1x256x128xf32> to vector<256x128xf32>
    %transpose3A_291 = tpu.transpose %get3A_290, [1, 0] : vector<256x128xf32> -> vector<128x256xf32>
    %get3A_292 = arith.constant 14 : index
    %get3A_293 = arith.constant 0 : index
    %get3A_294 = arith.constant 0 : index
    %get3A_295 = vector.load %arg3[%get3A_292, %get3A_293, %get3A_294] : memref<26x1x256xf32, #tpu.memory_space<vmem>>, vector<1x1x256xf32>
    %get3A_296 = vector.shape_cast %get3A_295 : vector<1x1x256xf32> to vector<1x256xf32>
    %slice3A_297 = vector.extract_strided_slice %transpose3A_291 {offsets = [0, 0], sizes = [64, 256], strides = [1, 1]} : vector<128x256xf32> to vector<64x256xf32>
    %slice3A_298 = vector.extract_strided_slice %transpose3A_291 {offsets = [64, 0], sizes = [64, 256], strides = [1, 1]} : vector<128x256xf32> to vector<64x256xf32>
    %slice3A_299 = vector.extract_strided_slice %transpose3A_291 {offsets = [0, 0], sizes = [64, 256], strides = [1, 1]} : vector<128x256xf32> to vector<64x256xf32>
    %sub3A_300 = arith.subf %slice3A_298, %slice3A_299 : vector<64x256xf32>
    %mul3A_301 = vector.broadcast %get3A_296 : vector<1x256xf32> to vector<64x256xf32>
    %mul3A_302 = arith.mulf %mul3A_301, %sub3A_300 : vector<64x256xf32>
    %add3A_303 = arith.addf %slice3A_297, %mul3A_302 : vector<64x256xf32>
    %get3A_304 = arith.constant 15 : index
    %get3A_305 = arith.constant 0 : index
    %get3A_306 = arith.constant 0 : index
    %get3A_307 = vector.load %arg2[%get3A_304, %get3A_305, %get3A_306] : memref<26x256x128xf32, #tpu.memory_space<vmem>>, vector<1x256x128xf32>
    %get3A_308 = vector.shape_cast %get3A_307 : vector<1x256x128xf32> to vector<256x128xf32>
    %transpose3A_309 = tpu.transpose %get3A_308, [1, 0] : vector<256x128xf32> -> vector<128x256xf32>
    %get3A_310 = arith.constant 15 : index
    %get3A_311 = arith.constant 0 : index
    %get3A_312 = arith.constant 0 : index
    %get3A_313 = vector.load %arg3[%get3A_310, %get3A_311, %get3A_312] : memref<26x1x256xf32, #tpu.memory_space<vmem>>, vector<1x1x256xf32>
    %get3A_314 = vector.shape_cast %get3A_313 : vector<1x1x256xf32> to vector<1x256xf32>
    %slice3A_315 = vector.extract_strided_slice %transpose3A_309 {offsets = [0, 0], sizes = [64, 256], strides = [1, 1]} : vector<128x256xf32> to vector<64x256xf32>
    %slice3A_316 = vector.extract_strided_slice %transpose3A_309 {offsets = [64, 0], sizes = [64, 256], strides = [1, 1]} : vector<128x256xf32> to vector<64x256xf32>
    %slice3A_317 = vector.extract_strided_slice %transpose3A_309 {offsets = [0, 0], sizes = [64, 256], strides = [1, 1]} : vector<128x256xf32> to vector<64x256xf32>
    %sub3A_318 = arith.subf %slice3A_316, %slice3A_317 : vector<64x256xf32>
    %mul3A_319 = vector.broadcast %get3A_314 : vector<1x256xf32> to vector<64x256xf32>
    %mul3A_320 = arith.mulf %mul3A_319, %sub3A_318 : vector<64x256xf32>
    %add3A_321 = arith.addf %slice3A_315, %mul3A_320 : vector<64x256xf32>
    %get3A_322 = arith.constant 16 : index
    %get3A_323 = arith.constant 0 : index
    %get3A_324 = arith.constant 0 : index
    %get3A_325 = vector.load %arg2[%get3A_322, %get3A_323, %get3A_324] : memref<26x256x128xf32, #tpu.memory_space<vmem>>, vector<1x256x128xf32>
    %get3A_326 = vector.shape_cast %get3A_325 : vector<1x256x128xf32> to vector<256x128xf32>
    %transpose3A_327 = tpu.transpose %get3A_326, [1, 0] : vector<256x128xf32> -> vector<128x256xf32>
    %get3A_328 = arith.constant 16 : index
    %get3A_329 = arith.constant 0 : index
    %get3A_330 = arith.constant 0 : index
    %get3A_331 = vector.load %arg3[%get3A_328, %get3A_329, %get3A_330] : memref<26x1x256xf32, #tpu.memory_space<vmem>>, vector<1x1x256xf32>
    %get3A_332 = vector.shape_cast %get3A_331 : vector<1x1x256xf32> to vector<1x256xf32>
    %slice3A_333 = vector.extract_strided_slice %transpose3A_327 {offsets = [0, 0], sizes = [64, 256], strides = [1, 1]} : vector<128x256xf32> to vector<64x256xf32>
    %slice3A_334 = vector.extract_strided_slice %transpose3A_327 {offsets = [64, 0], sizes = [64, 256], strides = [1, 1]} : vector<128x256xf32> to vector<64x256xf32>
    %slice3A_335 = vector.extract_strided_slice %transpose3A_327 {offsets = [0, 0], sizes = [64, 256], strides = [1, 1]} : vector<128x256xf32> to vector<64x256xf32>
    %sub3A_336 = arith.subf %slice3A_334, %slice3A_335 : vector<64x256xf32>
    %mul3A_337 = vector.broadcast %get3A_332 : vector<1x256xf32> to vector<64x256xf32>
    %mul3A_338 = arith.mulf %mul3A_337, %sub3A_336 : vector<64x256xf32>
    %add3A_339 = arith.addf %slice3A_333, %mul3A_338 : vector<64x256xf32>
    %get3A_340 = arith.constant 17 : index
    %get3A_341 = arith.constant 0 : index
    %get3A_342 = arith.constant 0 : index
    %get3A_343 = vector.load %arg2[%get3A_340, %get3A_341, %get3A_342] : memref<26x256x128xf32, #tpu.memory_space<vmem>>, vector<1x256x128xf32>
    %get3A_344 = vector.shape_cast %get3A_343 : vector<1x256x128xf32> to vector<256x128xf32>
    %transpose3A_345 = tpu.transpose %get3A_344, [1, 0] : vector<256x128xf32> -> vector<128x256xf32>
    %get3A_346 = arith.constant 17 : index
    %get3A_347 = arith.constant 0 : index
    %get3A_348 = arith.constant 0 : index
    %get3A_349 = vector.load %arg3[%get3A_346, %get3A_347, %get3A_348] : memref<26x1x256xf32, #tpu.memory_space<vmem>>, vector<1x1x256xf32>
    %get3A_350 = vector.shape_cast %get3A_349 : vector<1x1x256xf32> to vector<1x256xf32>
    %slice3A_351 = vector.extract_strided_slice %transpose3A_345 {offsets = [0, 0], sizes = [64, 256], strides = [1, 1]} : vector<128x256xf32> to vector<64x256xf32>
    %slice3A_352 = vector.extract_strided_slice %transpose3A_345 {offsets = [64, 0], sizes = [64, 256], strides = [1, 1]} : vector<128x256xf32> to vector<64x256xf32>
    %slice3A_353 = vector.extract_strided_slice %transpose3A_345 {offsets = [0, 0], sizes = [64, 256], strides = [1, 1]} : vector<128x256xf32> to vector<64x256xf32>
    %sub3A_354 = arith.subf %slice3A_352, %slice3A_353 : vector<64x256xf32>
    %mul3A_355 = vector.broadcast %get3A_350 : vector<1x256xf32> to vector<64x256xf32>
    %mul3A_356 = arith.mulf %mul3A_355, %sub3A_354 : vector<64x256xf32>
    %add3A_357 = arith.addf %slice3A_351, %mul3A_356 : vector<64x256xf32>
    %get3A_358 = arith.constant 18 : index
    %get3A_359 = arith.constant 0 : index
    %get3A_360 = arith.constant 0 : index
    %get3A_361 = vector.load %arg2[%get3A_358, %get3A_359, %get3A_360] : memref<26x256x128xf32, #tpu.memory_space<vmem>>, vector<1x256x128xf32>
    %get3A_362 = vector.shape_cast %get3A_361 : vector<1x256x128xf32> to vector<256x128xf32>
    %transpose3A_363 = tpu.transpose %get3A_362, [1, 0] : vector<256x128xf32> -> vector<128x256xf32>
    %get3A_364 = arith.constant 18 : index
    %get3A_365 = arith.constant 0 : index
    %get3A_366 = arith.constant 0 : index
    %get3A_367 = vector.load %arg3[%get3A_364, %get3A_365, %get3A_366] : memref<26x1x256xf32, #tpu.memory_space<vmem>>, vector<1x1x256xf32>
    %get3A_368 = vector.shape_cast %get3A_367 : vector<1x1x256xf32> to vector<1x256xf32>
    %slice3A_369 = vector.extract_strided_slice %transpose3A_363 {offsets = [0, 0], sizes = [64, 256], strides = [1, 1]} : vector<128x256xf32> to vector<64x256xf32>
    %slice3A_370 = vector.extract_strided_slice %transpose3A_363 {offsets = [64, 0], sizes = [64, 256], strides = [1, 1]} : vector<128x256xf32> to vector<64x256xf32>
    %slice3A_371 = vector.extract_strided_slice %transpose3A_363 {offsets = [0, 0], sizes = [64, 256], strides = [1, 1]} : vector<128x256xf32> to vector<64x256xf32>
    %sub3A_372 = arith.subf %slice3A_370, %slice3A_371 : vector<64x256xf32>
    %mul3A_373 = vector.broadcast %get3A_368 : vector<1x256xf32> to vector<64x256xf32>
    %mul3A_374 = arith.mulf %mul3A_373, %sub3A_372 : vector<64x256xf32>
    %add3A_375 = arith.addf %slice3A_369, %mul3A_374 : vector<64x256xf32>
    %get3A_376 = arith.constant 19 : index
    %get3A_377 = arith.constant 0 : index
    %get3A_378 = arith.constant 0 : index
    %get3A_379 = vector.load %arg2[%get3A_376, %get3A_377, %get3A_378] : memref<26x256x128xf32, #tpu.memory_space<vmem>>, vector<1x256x128xf32>
    %get3A_380 = vector.shape_cast %get3A_379 : vector<1x256x128xf32> to vector<256x128xf32>
    %transpose3A_381 = tpu.transpose %get3A_380, [1, 0] : vector<256x128xf32> -> vector<128x256xf32>
    %get3A_382 = arith.constant 19 : index
    %get3A_383 = arith.constant 0 : index
    %get3A_384 = arith.constant 0 : index
    %get3A_385 = vector.load %arg3[%get3A_382, %get3A_383, %get3A_384] : memref<26x1x256xf32, #tpu.memory_space<vmem>>, vector<1x1x256xf32>
    %get3A_386 = vector.shape_cast %get3A_385 : vector<1x1x256xf32> to vector<1x256xf32>
    %slice3A_387 = vector.extract_strided_slice %transpose3A_381 {offsets = [0, 0], sizes = [64, 256], strides = [1, 1]} : vector<128x256xf32> to vector<64x256xf32>
    %slice3A_388 = vector.extract_strided_slice %transpose3A_381 {offsets = [64, 0], sizes = [64, 256], strides = [1, 1]} : vector<128x256xf32> to vector<64x256xf32>
    %slice3A_389 = vector.extract_strided_slice %transpose3A_381 {offsets = [0, 0], sizes = [64, 256], strides = [1, 1]} : vector<128x256xf32> to vector<64x256xf32>
    %sub3A_390 = arith.subf %slice3A_388, %slice3A_389 : vector<64x256xf32>
    %mul3A_391 = vector.broadcast %get3A_386 : vector<1x256xf32> to vector<64x256xf32>
    %mul3A_392 = arith.mulf %mul3A_391, %sub3A_390 : vector<64x256xf32>
    %add3A_393 = arith.addf %slice3A_387, %mul3A_392 : vector<64x256xf32>
    %get3A_394 = arith.constant 20 : index
    %get3A_395 = arith.constant 0 : index
    %get3A_396 = arith.constant 0 : index
    %get3A_397 = vector.load %arg2[%get3A_394, %get3A_395, %get3A_396] : memref<26x256x128xf32, #tpu.memory_space<vmem>>, vector<1x256x128xf32>
    %get3A_398 = vector.shape_cast %get3A_397 : vector<1x256x128xf32> to vector<256x128xf32>
    %transpose3A_399 = tpu.transpose %get3A_398, [1, 0] : vector<256x128xf32> -> vector<128x256xf32>
    %get3A_400 = arith.constant 20 : index
    %get3A_401 = arith.constant 0 : index
    %get3A_402 = arith.constant 0 : index
    %get3A_403 = vector.load %arg3[%get3A_400, %get3A_401, %get3A_402] : memref<26x1x256xf32, #tpu.memory_space<vmem>>, vector<1x1x256xf32>
    %get3A_404 = vector.shape_cast %get3A_403 : vector<1x1x256xf32> to vector<1x256xf32>
    %slice3A_405 = vector.extract_strided_slice %transpose3A_399 {offsets = [0, 0], sizes = [64, 256], strides = [1, 1]} : vector<128x256xf32> to vector<64x256xf32>
    %slice3A_406 = vector.extract_strided_slice %transpose3A_399 {offsets = [64, 0], sizes = [64, 256], strides = [1, 1]} : vector<128x256xf32> to vector<64x256xf32>
    %slice3A_407 = vector.extract_strided_slice %transpose3A_399 {offsets = [0, 0], sizes = [64, 256], strides = [1, 1]} : vector<128x256xf32> to vector<64x256xf32>
    %sub3A_408 = arith.subf %slice3A_406, %slice3A_407 : vector<64x256xf32>
    %mul3A_409 = vector.broadcast %get3A_404 : vector<1x256xf32> to vector<64x256xf32>
    %mul3A_410 = arith.mulf %mul3A_409, %sub3A_408 : vector<64x256xf32>
    %add3A_411 = arith.addf %slice3A_405, %mul3A_410 : vector<64x256xf32>
    %get3A_412 = arith.constant 21 : index
    %get3A_413 = arith.constant 0 : index
    %get3A_414 = arith.constant 0 : index
    %get3A_415 = vector.load %arg2[%get3A_412, %get3A_413, %get3A_414] : memref<26x256x128xf32, #tpu.memory_space<vmem>>, vector<1x256x128xf32>
    %get3A_416 = vector.shape_cast %get3A_415 : vector<1x256x128xf32> to vector<256x128xf32>
    %transpose3A_417 = tpu.transpose %get3A_416, [1, 0] : vector<256x128xf32> -> vector<128x256xf32>
    %get3A_418 = arith.constant 21 : index
    %get3A_419 = arith.constant 0 : index
    %get3A_420 = arith.constant 0 : index
    %get3A_421 = vector.load %arg3[%get3A_418, %get3A_419, %get3A_420] : memref<26x1x256xf32, #tpu.memory_space<vmem>>, vector<1x1x256xf32>
    %get3A_422 = vector.shape_cast %get3A_421 : vector<1x1x256xf32> to vector<1x256xf32>
    %slice3A_423 = vector.extract_strided_slice %transpose3A_417 {offsets = [0, 0], sizes = [64, 256], strides = [1, 1]} : vector<128x256xf32> to vector<64x256xf32>
    %slice3A_424 = vector.extract_strided_slice %transpose3A_417 {offsets = [64, 0], sizes = [64, 256], strides = [1, 1]} : vector<128x256xf32> to vector<64x256xf32>
    %slice3A_425 = vector.extract_strided_slice %transpose3A_417 {offsets = [0, 0], sizes = [64, 256], strides = [1, 1]} : vector<128x256xf32> to vector<64x256xf32>
    %sub3A_426 = arith.subf %slice3A_424, %slice3A_425 : vector<64x256xf32>
    %mul3A_427 = vector.broadcast %get3A_422 : vector<1x256xf32> to vector<64x256xf32>
    %mul3A_428 = arith.mulf %mul3A_427, %sub3A_426 : vector<64x256xf32>
    %add3A_429 = arith.addf %slice3A_423, %mul3A_428 : vector<64x256xf32>
    %get3A_430 = arith.constant 22 : index
    %get3A_431 = arith.constant 0 : index
    %get3A_432 = arith.constant 0 : index
    %get3A_433 = vector.load %arg2[%get3A_430, %get3A_431, %get3A_432] : memref<26x256x128xf32, #tpu.memory_space<vmem>>, vector<1x256x128xf32>
    %get3A_434 = vector.shape_cast %get3A_433 : vector<1x256x128xf32> to vector<256x128xf32>
    %transpose3A_435 = tpu.transpose %get3A_434, [1, 0] : vector<256x128xf32> -> vector<128x256xf32>
    %get3A_436 = arith.constant 22 : index
    %get3A_437 = arith.constant 0 : index
    %get3A_438 = arith.constant 0 : index
    %get3A_439 = vector.load %arg3[%get3A_436, %get3A_437, %get3A_438] : memref<26x1x256xf32, #tpu.memory_space<vmem>>, vector<1x1x256xf32>
    %get3A_440 = vector.shape_cast %get3A_439 : vector<1x1x256xf32> to vector<1x256xf32>
    %slice3A_441 = vector.extract_strided_slice %transpose3A_435 {offsets = [0, 0], sizes = [64, 256], strides = [1, 1]} : vector<128x256xf32> to vector<64x256xf32>
    %slice3A_442 = vector.extract_strided_slice %transpose3A_435 {offsets = [64, 0], sizes = [64, 256], strides = [1, 1]} : vector<128x256xf32> to vector<64x256xf32>
    %slice3A_443 = vector.extract_strided_slice %transpose3A_435 {offsets = [0, 0], sizes = [64, 256], strides = [1, 1]} : vector<128x256xf32> to vector<64x256xf32>
    %sub3A_444 = arith.subf %slice3A_442, %slice3A_443 : vector<64x256xf32>
    %mul3A_445 = vector.broadcast %get3A_440 : vector<1x256xf32> to vector<64x256xf32>
    %mul3A_446 = arith.mulf %mul3A_445, %sub3A_444 : vector<64x256xf32>
    %add3A_447 = arith.addf %slice3A_441, %mul3A_446 : vector<64x256xf32>
    %get3A_448 = arith.constant 23 : index
    %get3A_449 = arith.constant 0 : index
    %get3A_450 = arith.constant 0 : index
    %get3A_451 = vector.load %arg2[%get3A_448, %get3A_449, %get3A_450] : memref<26x256x128xf32, #tpu.memory_space<vmem>>, vector<1x256x128xf32>
    %get3A_452 = vector.shape_cast %get3A_451 : vector<1x256x128xf32> to vector<256x128xf32>
    %transpose3A_453 = tpu.transpose %get3A_452, [1, 0] : vector<256x128xf32> -> vector<128x256xf32>
    %get3A_454 = arith.constant 23 : index
    %get3A_455 = arith.constant 0 : index
    %get3A_456 = arith.constant 0 : index
    %get3A_457 = vector.load %arg3[%get3A_454, %get3A_455, %get3A_456] : memref<26x1x256xf32, #tpu.memory_space<vmem>>, vector<1x1x256xf32>
    %get3A_458 = vector.shape_cast %get3A_457 : vector<1x1x256xf32> to vector<1x256xf32>
    %slice3A_459 = vector.extract_strided_slice %transpose3A_453 {offsets = [0, 0], sizes = [64, 256], strides = [1, 1]} : vector<128x256xf32> to vector<64x256xf32>
    %slice3A_460 = vector.extract_strided_slice %transpose3A_453 {offsets = [64, 0], sizes = [64, 256], strides = [1, 1]} : vector<128x256xf32> to vector<64x256xf32>
    %slice3A_461 = vector.extract_strided_slice %transpose3A_453 {offsets = [0, 0], sizes = [64, 256], strides = [1, 1]} : vector<128x256xf32> to vector<64x256xf32>
    %sub3A_462 = arith.subf %slice3A_460, %slice3A_461 : vector<64x256xf32>
    %mul3A_463 = vector.broadcast %get3A_458 : vector<1x256xf32> to vector<64x256xf32>
    %mul3A_464 = arith.mulf %mul3A_463, %sub3A_462 : vector<64x256xf32>
    %add3A_465 = arith.addf %slice3A_459, %mul3A_464 : vector<64x256xf32>
    %get3A_466 = arith.constant 24 : index
    %get3A_467 = arith.constant 0 : index
    %get3A_468 = arith.constant 0 : index
    %get3A_469 = vector.load %arg2[%get3A_466, %get3A_467, %get3A_468] : memref<26x256x128xf32, #tpu.memory_space<vmem>>, vector<1x256x128xf32>
    %get3A_470 = vector.shape_cast %get3A_469 : vector<1x256x128xf32> to vector<256x128xf32>
    %transpose3A_471 = tpu.transpose %get3A_470, [1, 0] : vector<256x128xf32> -> vector<128x256xf32>
    %get3A_472 = arith.constant 24 : index
    %get3A_473 = arith.constant 0 : index
    %get3A_474 = arith.constant 0 : index
    %get3A_475 = vector.load %arg3[%get3A_472, %get3A_473, %get3A_474] : memref<26x1x256xf32, #tpu.memory_space<vmem>>, vector<1x1x256xf32>
    %get3A_476 = vector.shape_cast %get3A_475 : vector<1x1x256xf32> to vector<1x256xf32>
    %slice3A_477 = vector.extract_strided_slice %transpose3A_471 {offsets = [0, 0], sizes = [64, 256], strides = [1, 1]} : vector<128x256xf32> to vector<64x256xf32>
    %slice3A_478 = vector.extract_strided_slice %transpose3A_471 {offsets = [64, 0], sizes = [64, 256], strides = [1, 1]} : vector<128x256xf32> to vector<64x256xf32>
    %slice3A_479 = vector.extract_strided_slice %transpose3A_471 {offsets = [0, 0], sizes = [64, 256], strides = [1, 1]} : vector<128x256xf32> to vector<64x256xf32>
    %sub3A_480 = arith.subf %slice3A_478, %slice3A_479 : vector<64x256xf32>
    %mul3A_481 = vector.broadcast %get3A_476 : vector<1x256xf32> to vector<64x256xf32>
    %mul3A_482 = arith.mulf %mul3A_481, %sub3A_480 : vector<64x256xf32>
    %add3A_483 = arith.addf %slice3A_477, %mul3A_482 : vector<64x256xf32>
    %get3A_484 = arith.constant 25 : index
    %get3A_485 = arith.constant 0 : index
    %get3A_486 = arith.constant 0 : index
    %get3A_487 = vector.load %arg2[%get3A_484, %get3A_485, %get3A_486] : memref<26x256x128xf32, #tpu.memory_space<vmem>>, vector<1x256x128xf32>
    %get3A_488 = vector.shape_cast %get3A_487 : vector<1x256x128xf32> to vector<256x128xf32>
    %transpose3A_489 = tpu.transpose %get3A_488, [1, 0] : vector<256x128xf32> -> vector<128x256xf32>
    %get3A_490 = arith.constant 25 : index
    %get3A_491 = arith.constant 0 : index
    %get3A_492 = arith.constant 0 : index
    %get3A_493 = vector.load %arg3[%get3A_490, %get3A_491, %get3A_492] : memref<26x1x256xf32, #tpu.memory_space<vmem>>, vector<1x1x256xf32>
    %get3A_494 = vector.shape_cast %get3A_493 : vector<1x1x256xf32> to vector<1x256xf32>
    %slice3A_495 = vector.extract_strided_slice %transpose3A_489 {offsets = [0, 0], sizes = [64, 256], strides = [1, 1]} : vector<128x256xf32> to vector<64x256xf32>
    %slice3A_496 = vector.extract_strided_slice %transpose3A_489 {offsets = [64, 0], sizes = [64, 256], strides = [1, 1]} : vector<128x256xf32> to vector<64x256xf32>
    %slice3A_497 = vector.extract_strided_slice %transpose3A_489 {offsets = [0, 0], sizes = [64, 256], strides = [1, 1]} : vector<128x256xf32> to vector<64x256xf32>
    %sub3A_498 = arith.subf %slice3A_496, %slice3A_497 : vector<64x256xf32>
    %mul3A_499 = vector.broadcast %get3A_494 : vector<1x256xf32> to vector<64x256xf32>
    %mul3A_500 = arith.mulf %mul3A_499, %sub3A_498 : vector<64x256xf32>
    %add3A_501 = arith.addf %slice3A_495, %mul3A_500 : vector<64x256xf32>
    %stack3A = vector.shape_cast %max3A_37 : vector<64x256xf32> to vector<1x64x256xf32>
    %stack3A_502 = vector.shape_cast %add3A_51 : vector<64x256xf32> to vector<1x64x256xf32>
    %stack3A_503 = vector.shape_cast %add3A_69 : vector<64x256xf32> to vector<1x64x256xf32>
    %stack3A_504 = vector.shape_cast %add3A_87 : vector<64x256xf32> to vector<1x64x256xf32>
    %stack3A_505 = vector.shape_cast %add3A_105 : vector<64x256xf32> to vector<1x64x256xf32>
    %stack3A_506 = vector.shape_cast %add3A_123 : vector<64x256xf32> to vector<1x64x256xf32>
    %stack3A_507 = vector.shape_cast %add3A_141 : vector<64x256xf32> to vector<1x64x256xf32>
    %stack3A_508 = vector.shape_cast %add3A_159 : vector<64x256xf32> to vector<1x64x256xf32>
    %stack3A_509 = vector.shape_cast %add3A_177 : vector<64x256xf32> to vector<1x64x256xf32>
    %stack3A_510 = vector.shape_cast %add3A_195 : vector<64x256xf32> to vector<1x64x256xf32>
    %stack3A_511 = vector.shape_cast %add3A_213 : vector<64x256xf32> to vector<1x64x256xf32>
    %stack3A_512 = vector.shape_cast %add3A_231 : vector<64x256xf32> to vector<1x64x256xf32>
    %stack3A_513 = vector.shape_cast %add3A_249 : vector<64x256xf32> to vector<1x64x256xf32>
    %stack3A_514 = vector.shape_cast %add3A_267 : vector<64x256xf32> to vector<1x64x256xf32>
    %stack3A_515 = vector.shape_cast %add3A_285 : vector<64x256xf32> to vector<1x64x256xf32>
    %stack3A_516 = vector.shape_cast %add3A_303 : vector<64x256xf32> to vector<1x64x256xf32>
    %stack3A_517 = vector.shape_cast %add3A_321 : vector<64x256xf32> to vector<1x64x256xf32>
    %stack3A_518 = vector.shape_cast %add3A_339 : vector<64x256xf32> to vector<1x64x256xf32>
    %stack3A_519 = vector.shape_cast %add3A_357 : vector<64x256xf32> to vector<1x64x256xf32>
    %stack3A_520 = vector.shape_cast %add3A_375 : vector<64x256xf32> to vector<1x64x256xf32>
    %stack3A_521 = vector.shape_cast %add3A_393 : vector<64x256xf32> to vector<1x64x256xf32>
    %stack3A_522 = vector.shape_cast %add3A_411 : vector<64x256xf32> to vector<1x64x256xf32>
    %stack3A_523 = vector.shape_cast %add3A_429 : vector<64x256xf32> to vector<1x64x256xf32>
    %stack3A_524 = vector.shape_cast %add3A_447 : vector<64x256xf32> to vector<1x64x256xf32>
    %stack3A_525 = vector.shape_cast %add3A_465 : vector<64x256xf32> to vector<1x64x256xf32>
    %stack3A_526 = vector.shape_cast %add3A_483 : vector<64x256xf32> to vector<1x64x256xf32>
    %stack3A_527 = vector.shape_cast %add3A_501 : vector<64x256xf32> to vector<1x64x256xf32>
    %stack3A_528 = tpu.concatenate %stack3A, %stack3A_502, %stack3A_503, %stack3A_504, %stack3A_505, %stack3A_506, %stack3A_507, %stack3A_508, %stack3A_509, %stack3A_510, %stack3A_511, %stack3A_512, %stack3A_513, %stack3A_514, %stack3A_515, %stack3A_516, %stack3A_517, %stack3A_518, %stack3A_519, %stack3A_520, %stack3A_521, %stack3A_522, %stack3A_523, %stack3A_524, %stack3A_525, %stack3A_526, %stack3A_527 in 0 : vector<1x64x256xf32>, vector<1x64x256xf32>, vector<1x64x256xf32>, vector<1x64x256xf32>, vector<1x64x256xf32>, vector<1x64x256xf32>, vector<1x64x256xf32>, vector<1x64x256xf32>, vector<1x64x256xf32>, vector<1x64x256xf32>, vector<1x64x256xf32>, vector<1x64x256xf32>, vector<1x64x256xf32>, vector<1x64x256xf32>, vector<1x64x256xf32>, vector<1x64x256xf32>, vector<1x64x256xf32>, vector<1x64x256xf32>, vector<1x64x256xf32>, vector<1x64x256xf32>, vector<1x64x256xf32>, vector<1x64x256xf32>, vector<1x64x256xf32>, vector<1x64x256xf32>, vector<1x64x256xf32>, vector<1x64x256xf32>, vector<1x64x256xf32> -> vector<27x64x256xf32>
    %slice3A_529 = vector.extract_strided_slice %stack3A_528 {offsets = [0, 0, 0], sizes = [1, 64, 256], strides = [1, 1, 1]} : vector<27x64x256xf32> to vector<1x64x256xf32>
    %slice3A_530 = vector.extract_strided_slice %stack3A_528 {offsets = [1, 0, 0], sizes = [1, 64, 256], strides = [1, 1, 1]} : vector<27x64x256xf32> to vector<1x64x256xf32>
    %squeeze3A = vector.shape_cast %slice3A_530 : vector<1x64x256xf32> to vector<64x256xf32>
    %broadcast_in_dim3A = vector.shape_cast %squeeze3A : vector<64x256xf32> to vector<1x64x256xf32>
    %mul3A_531 = arith.mulf %slice3A_529, %broadcast_in_dim3A : vector<1x64x256xf32>
    %reduce_sum3A = arith.constant dense<0.000000e+00> : vector<1x256xf32>
    %reduce_sum3A_532 = vector.multi_reduction <add>, %mul3A_531, %reduce_sum3A [1] : vector<1x64x256xf32> to vector<1x256xf32>
    %slice3A_533 = vector.extract_strided_slice %stack3A_528 {offsets = [0, 0, 0], sizes = [2, 64, 256], strides = [1, 1, 1]} : vector<27x64x256xf32> to vector<2x64x256xf32>
    %slice3A_534 = vector.extract_strided_slice %stack3A_528 {offsets = [2, 0, 0], sizes = [1, 64, 256], strides = [1, 1, 1]} : vector<27x64x256xf32> to vector<1x64x256xf32>
    %squeeze3A_535 = vector.shape_cast %slice3A_534 : vector<1x64x256xf32> to vector<64x256xf32>
    %broadcast_in_dim3A_536 = vector.shape_cast %squeeze3A_535 : vector<64x256xf32> to vector<1x64x256xf32>
    %mul3A_537 = vector.broadcast %broadcast_in_dim3A_536 : vector<1x64x256xf32> to vector<2x64x256xf32>
    %mul3A_538 = arith.mulf %slice3A_533, %mul3A_537 : vector<2x64x256xf32>
    %reduce_sum3A_539 = arith.constant dense<0.000000e+00> : vector<2x256xf32>
    %reduce_sum3A_540 = vector.multi_reduction <add>, %mul3A_538, %reduce_sum3A_539 [1] : vector<2x64x256xf32> to vector<2x256xf32>
    %slice3A_541 = vector.extract_strided_slice %stack3A_528 {offsets = [0, 0, 0], sizes = [3, 64, 256], strides = [1, 1, 1]} : vector<27x64x256xf32> to vector<3x64x256xf32>
    %slice3A_542 = vector.extract_strided_slice %stack3A_528 {offsets = [3, 0, 0], sizes = [1, 64, 256], strides = [1, 1, 1]} : vector<27x64x256xf32> to vector<1x64x256xf32>
    %squeeze3A_543 = vector.shape_cast %slice3A_542 : vector<1x64x256xf32> to vector<64x256xf32>
    %broadcast_in_dim3A_544 = vector.shape_cast %squeeze3A_543 : vector<64x256xf32> to vector<1x64x256xf32>
    %mul3A_545 = vector.broadcast %broadcast_in_dim3A_544 : vector<1x64x256xf32> to vector<3x64x256xf32>
    %mul3A_546 = arith.mulf %slice3A_541, %mul3A_545 : vector<3x64x256xf32>
    %reduce_sum3A_547 = arith.constant dense<0.000000e+00> : vector<3x256xf32>
    %reduce_sum3A_548 = vector.multi_reduction <add>, %mul3A_546, %reduce_sum3A_547 [1] : vector<3x64x256xf32> to vector<3x256xf32>
    %slice3A_549 = vector.extract_strided_slice %stack3A_528 {offsets = [0, 0, 0], sizes = [4, 64, 256], strides = [1, 1, 1]} : vector<27x64x256xf32> to vector<4x64x256xf32>
    %slice3A_550 = vector.extract_strided_slice %stack3A_528 {offsets = [4, 0, 0], sizes = [1, 64, 256], strides = [1, 1, 1]} : vector<27x64x256xf32> to vector<1x64x256xf32>
    %squeeze3A_551 = vector.shape_cast %slice3A_550 : vector<1x64x256xf32> to vector<64x256xf32>
    %broadcast_in_dim3A_552 = vector.shape_cast %squeeze3A_551 : vector<64x256xf32> to vector<1x64x256xf32>
    %mul3A_553 = vector.broadcast %broadcast_in_dim3A_552 : vector<1x64x256xf32> to vector<4x64x256xf32>
    %mul3A_554 = arith.mulf %slice3A_549, %mul3A_553 : vector<4x64x256xf32>
    %reduce_sum3A_555 = arith.constant dense<0.000000e+00> : vector<4x256xf32>
    %reduce_sum3A_556 = vector.multi_reduction <add>, %mul3A_554, %reduce_sum3A_555 [1] : vector<4x64x256xf32> to vector<4x256xf32>
    %slice3A_557 = vector.extract_strided_slice %stack3A_528 {offsets = [0, 0, 0], sizes = [5, 64, 256], strides = [1, 1, 1]} : vector<27x64x256xf32> to vector<5x64x256xf32>
    %slice3A_558 = vector.extract_strided_slice %stack3A_528 {offsets = [5, 0, 0], sizes = [1, 64, 256], strides = [1, 1, 1]} : vector<27x64x256xf32> to vector<1x64x256xf32>
    %squeeze3A_559 = vector.shape_cast %slice3A_558 : vector<1x64x256xf32> to vector<64x256xf32>
    %broadcast_in_dim3A_560 = vector.shape_cast %squeeze3A_559 : vector<64x256xf32> to vector<1x64x256xf32>
    %mul3A_561 = vector.broadcast %broadcast_in_dim3A_560 : vector<1x64x256xf32> to vector<5x64x256xf32>
    %mul3A_562 = arith.mulf %slice3A_557, %mul3A_561 : vector<5x64x256xf32>
    %reduce_sum3A_563 = arith.constant dense<0.000000e+00> : vector<5x256xf32>
    %reduce_sum3A_564 = vector.multi_reduction <add>, %mul3A_562, %reduce_sum3A_563 [1] : vector<5x64x256xf32> to vector<5x256xf32>
    %slice3A_565 = vector.extract_strided_slice %stack3A_528 {offsets = [0, 0, 0], sizes = [6, 64, 256], strides = [1, 1, 1]} : vector<27x64x256xf32> to vector<6x64x256xf32>
    %slice3A_566 = vector.extract_strided_slice %stack3A_528 {offsets = [6, 0, 0], sizes = [1, 64, 256], strides = [1, 1, 1]} : vector<27x64x256xf32> to vector<1x64x256xf32>
    %squeeze3A_567 = vector.shape_cast %slice3A_566 : vector<1x64x256xf32> to vector<64x256xf32>
    %broadcast_in_dim3A_568 = vector.shape_cast %squeeze3A_567 : vector<64x256xf32> to vector<1x64x256xf32>
    %mul3A_569 = vector.broadcast %broadcast_in_dim3A_568 : vector<1x64x256xf32> to vector<6x64x256xf32>
    %mul3A_570 = arith.mulf %slice3A_565, %mul3A_569 : vector<6x64x256xf32>
    %reduce_sum3A_571 = arith.constant dense<0.000000e+00> : vector<6x256xf32>
    %reduce_sum3A_572 = vector.multi_reduction <add>, %mul3A_570, %reduce_sum3A_571 [1] : vector<6x64x256xf32> to vector<6x256xf32>
    %slice3A_573 = vector.extract_strided_slice %stack3A_528 {offsets = [0, 0, 0], sizes = [7, 64, 256], strides = [1, 1, 1]} : vector<27x64x256xf32> to vector<7x64x256xf32>
    %slice3A_574 = vector.extract_strided_slice %stack3A_528 {offsets = [7, 0, 0], sizes = [1, 64, 256], strides = [1, 1, 1]} : vector<27x64x256xf32> to vector<1x64x256xf32>
    %squeeze3A_575 = vector.shape_cast %slice3A_574 : vector<1x64x256xf32> to vector<64x256xf32>
    %broadcast_in_dim3A_576 = vector.shape_cast %squeeze3A_575 : vector<64x256xf32> to vector<1x64x256xf32>
    %mul3A_577 = vector.broadcast %broadcast_in_dim3A_576 : vector<1x64x256xf32> to vector<7x64x256xf32>
    %mul3A_578 = arith.mulf %slice3A_573, %mul3A_577 : vector<7x64x256xf32>
    %reduce_sum3A_579 = arith.constant dense<0.000000e+00> : vector<7x256xf32>
    %reduce_sum3A_580 = vector.multi_reduction <add>, %mul3A_578, %reduce_sum3A_579 [1] : vector<7x64x256xf32> to vector<7x256xf32>
    %slice3A_581 = vector.extract_strided_slice %stack3A_528 {offsets = [0, 0, 0], sizes = [8, 64, 256], strides = [1, 1, 1]} : vector<27x64x256xf32> to vector<8x64x256xf32>
    %slice3A_582 = vector.extract_strided_slice %stack3A_528 {offsets = [8, 0, 0], sizes = [1, 64, 256], strides = [1, 1, 1]} : vector<27x64x256xf32> to vector<1x64x256xf32>
    %squeeze3A_583 = vector.shape_cast %slice3A_582 : vector<1x64x256xf32> to vector<64x256xf32>
    %broadcast_in_dim3A_584 = vector.shape_cast %squeeze3A_583 : vector<64x256xf32> to vector<1x64x256xf32>
    %mul3A_585 = vector.broadcast %broadcast_in_dim3A_584 : vector<1x64x256xf32> to vector<8x64x256xf32>
    %mul3A_586 = arith.mulf %slice3A_581, %mul3A_585 : vector<8x64x256xf32>
    %reduce_sum3A_587 = arith.constant dense<0.000000e+00> : vector<8x256xf32>
    %reduce_sum3A_588 = vector.multi_reduction <add>, %mul3A_586, %reduce_sum3A_587 [1] : vector<8x64x256xf32> to vector<8x256xf32>
    %slice3A_589 = vector.extract_strided_slice %stack3A_528 {offsets = [0, 0, 0], sizes = [9, 64, 256], strides = [1, 1, 1]} : vector<27x64x256xf32> to vector<9x64x256xf32>
    %slice3A_590 = vector.extract_strided_slice %stack3A_528 {offsets = [9, 0, 0], sizes = [1, 64, 256], strides = [1, 1, 1]} : vector<27x64x256xf32> to vector<1x64x256xf32>
    %squeeze3A_591 = vector.shape_cast %slice3A_590 : vector<1x64x256xf32> to vector<64x256xf32>
    %broadcast_in_dim3A_592 = vector.shape_cast %squeeze3A_591 : vector<64x256xf32> to vector<1x64x256xf32>
    %mul3A_593 = vector.broadcast %broadcast_in_dim3A_592 : vector<1x64x256xf32> to vector<9x64x256xf32>
    %mul3A_594 = arith.mulf %slice3A_589, %mul3A_593 : vector<9x64x256xf32>
    %reduce_sum3A_595 = arith.constant dense<0.000000e+00> : vector<9x256xf32>
    %reduce_sum3A_596 = vector.multi_reduction <add>, %mul3A_594, %reduce_sum3A_595 [1] : vector<9x64x256xf32> to vector<9x256xf32>
    %slice3A_597 = vector.extract_strided_slice %stack3A_528 {offsets = [0, 0, 0], sizes = [10, 64, 256], strides = [1, 1, 1]} : vector<27x64x256xf32> to vector<10x64x256xf32>
    %slice3A_598 = vector.extract_strided_slice %stack3A_528 {offsets = [10, 0, 0], sizes = [1, 64, 256], strides = [1, 1, 1]} : vector<27x64x256xf32> to vector<1x64x256xf32>
    %squeeze3A_599 = vector.shape_cast %slice3A_598 : vector<1x64x256xf32> to vector<64x256xf32>
    %broadcast_in_dim3A_600 = vector.shape_cast %squeeze3A_599 : vector<64x256xf32> to vector<1x64x256xf32>
    %mul3A_601 = vector.broadcast %broadcast_in_dim3A_600 : vector<1x64x256xf32> to vector<10x64x256xf32>
    %mul3A_602 = arith.mulf %slice3A_597, %mul3A_601 : vector<10x64x256xf32>
    %reduce_sum3A_603 = arith.constant dense<0.000000e+00> : vector<10x256xf32>
    %reduce_sum3A_604 = vector.multi_reduction <add>, %mul3A_602, %reduce_sum3A_603 [1] : vector<10x64x256xf32> to vector<10x256xf32>
    %slice3A_605 = vector.extract_strided_slice %stack3A_528 {offsets = [0, 0, 0], sizes = [11, 64, 256], strides = [1, 1, 1]} : vector<27x64x256xf32> to vector<11x64x256xf32>
    %slice3A_606 = vector.extract_strided_slice %stack3A_528 {offsets = [11, 0, 0], sizes = [1, 64, 256], strides = [1, 1, 1]} : vector<27x64x256xf32> to vector<1x64x256xf32>
    %squeeze3A_607 = vector.shape_cast %slice3A_606 : vector<1x64x256xf32> to vector<64x256xf32>
    %broadcast_in_dim3A_608 = vector.shape_cast %squeeze3A_607 : vector<64x256xf32> to vector<1x64x256xf32>
    %mul3A_609 = vector.broadcast %broadcast_in_dim3A_608 : vector<1x64x256xf32> to vector<11x64x256xf32>
    %mul3A_610 = arith.mulf %slice3A_605, %mul3A_609 : vector<11x64x256xf32>
    %reduce_sum3A_611 = arith.constant dense<0.000000e+00> : vector<11x256xf32>
    %reduce_sum3A_612 = vector.multi_reduction <add>, %mul3A_610, %reduce_sum3A_611 [1] : vector<11x64x256xf32> to vector<11x256xf32>
    %slice3A_613 = vector.extract_strided_slice %stack3A_528 {offsets = [0, 0, 0], sizes = [12, 64, 256], strides = [1, 1, 1]} : vector<27x64x256xf32> to vector<12x64x256xf32>
    %slice3A_614 = vector.extract_strided_slice %stack3A_528 {offsets = [12, 0, 0], sizes = [1, 64, 256], strides = [1, 1, 1]} : vector<27x64x256xf32> to vector<1x64x256xf32>
    %squeeze3A_615 = vector.shape_cast %slice3A_614 : vector<1x64x256xf32> to vector<64x256xf32>
    %broadcast_in_dim3A_616 = vector.shape_cast %squeeze3A_615 : vector<64x256xf32> to vector<1x64x256xf32>
    %mul3A_617 = vector.broadcast %broadcast_in_dim3A_616 : vector<1x64x256xf32> to vector<12x64x256xf32>
    %mul3A_618 = arith.mulf %slice3A_613, %mul3A_617 : vector<12x64x256xf32>
    %reduce_sum3A_619 = arith.constant dense<0.000000e+00> : vector<12x256xf32>
    %reduce_sum3A_620 = vector.multi_reduction <add>, %mul3A_618, %reduce_sum3A_619 [1] : vector<12x64x256xf32> to vector<12x256xf32>
    %slice3A_621 = vector.extract_strided_slice %stack3A_528 {offsets = [0, 0, 0], sizes = [13, 64, 256], strides = [1, 1, 1]} : vector<27x64x256xf32> to vector<13x64x256xf32>
    %slice3A_622 = vector.extract_strided_slice %stack3A_528 {offsets = [13, 0, 0], sizes = [1, 64, 256], strides = [1, 1, 1]} : vector<27x64x256xf32> to vector<1x64x256xf32>
    %squeeze3A_623 = vector.shape_cast %slice3A_622 : vector<1x64x256xf32> to vector<64x256xf32>
    %broadcast_in_dim3A_624 = vector.shape_cast %squeeze3A_623 : vector<64x256xf32> to vector<1x64x256xf32>
    %mul3A_625 = vector.broadcast %broadcast_in_dim3A_624 : vector<1x64x256xf32> to vector<13x64x256xf32>
    %mul3A_626 = arith.mulf %slice3A_621, %mul3A_625 : vector<13x64x256xf32>
    %reduce_sum3A_627 = arith.constant dense<0.000000e+00> : vector<13x256xf32>
    %reduce_sum3A_628 = vector.multi_reduction <add>, %mul3A_626, %reduce_sum3A_627 [1] : vector<13x64x256xf32> to vector<13x256xf32>
    %slice3A_629 = vector.extract_strided_slice %stack3A_528 {offsets = [0, 0, 0], sizes = [14, 64, 256], strides = [1, 1, 1]} : vector<27x64x256xf32> to vector<14x64x256xf32>
    %slice3A_630 = vector.extract_strided_slice %stack3A_528 {offsets = [14, 0, 0], sizes = [1, 64, 256], strides = [1, 1, 1]} : vector<27x64x256xf32> to vector<1x64x256xf32>
    %squeeze3A_631 = vector.shape_cast %slice3A_630 : vector<1x64x256xf32> to vector<64x256xf32>
    %broadcast_in_dim3A_632 = vector.shape_cast %squeeze3A_631 : vector<64x256xf32> to vector<1x64x256xf32>
    %mul3A_633 = vector.broadcast %broadcast_in_dim3A_632 : vector<1x64x256xf32> to vector<14x64x256xf32>
    %mul3A_634 = arith.mulf %slice3A_629, %mul3A_633 : vector<14x64x256xf32>
    %reduce_sum3A_635 = arith.constant dense<0.000000e+00> : vector<14x256xf32>
    %reduce_sum3A_636 = vector.multi_reduction <add>, %mul3A_634, %reduce_sum3A_635 [1] : vector<14x64x256xf32> to vector<14x256xf32>
    %slice3A_637 = vector.extract_strided_slice %stack3A_528 {offsets = [0, 0, 0], sizes = [15, 64, 256], strides = [1, 1, 1]} : vector<27x64x256xf32> to vector<15x64x256xf32>
    %slice3A_638 = vector.extract_strided_slice %stack3A_528 {offsets = [15, 0, 0], sizes = [1, 64, 256], strides = [1, 1, 1]} : vector<27x64x256xf32> to vector<1x64x256xf32>
    %squeeze3A_639 = vector.shape_cast %slice3A_638 : vector<1x64x256xf32> to vector<64x256xf32>
    %broadcast_in_dim3A_640 = vector.shape_cast %squeeze3A_639 : vector<64x256xf32> to vector<1x64x256xf32>
    %mul3A_641 = vector.broadcast %broadcast_in_dim3A_640 : vector<1x64x256xf32> to vector<15x64x256xf32>
    %mul3A_642 = arith.mulf %slice3A_637, %mul3A_641 : vector<15x64x256xf32>
    %reduce_sum3A_643 = arith.constant dense<0.000000e+00> : vector<15x256xf32>
    %reduce_sum3A_644 = vector.multi_reduction <add>, %mul3A_642, %reduce_sum3A_643 [1] : vector<15x64x256xf32> to vector<15x256xf32>
    %slice3A_645 = vector.extract_strided_slice %stack3A_528 {offsets = [0, 0, 0], sizes = [16, 64, 256], strides = [1, 1, 1]} : vector<27x64x256xf32> to vector<16x64x256xf32>
    %slice3A_646 = vector.extract_strided_slice %stack3A_528 {offsets = [16, 0, 0], sizes = [1, 64, 256], strides = [1, 1, 1]} : vector<27x64x256xf32> to vector<1x64x256xf32>
    %squeeze3A_647 = vector.shape_cast %slice3A_646 : vector<1x64x256xf32> to vector<64x256xf32>
    %broadcast_in_dim3A_648 = vector.shape_cast %squeeze3A_647 : vector<64x256xf32> to vector<1x64x256xf32>
    %mul3A_649 = vector.broadcast %broadcast_in_dim3A_648 : vector<1x64x256xf32> to vector<16x64x256xf32>
    %mul3A_650 = arith.mulf %slice3A_645, %mul3A_649 : vector<16x64x256xf32>
    %reduce_sum3A_651 = arith.constant dense<0.000000e+00> : vector<16x256xf32>
    %reduce_sum3A_652 = vector.multi_reduction <add>, %mul3A_650, %reduce_sum3A_651 [1] : vector<16x64x256xf32> to vector<16x256xf32>
    %slice3A_653 = vector.extract_strided_slice %stack3A_528 {offsets = [0, 0, 0], sizes = [17, 64, 256], strides = [1, 1, 1]} : vector<27x64x256xf32> to vector<17x64x256xf32>
    %slice3A_654 = vector.extract_strided_slice %stack3A_528 {offsets = [17, 0, 0], sizes = [1, 64, 256], strides = [1, 1, 1]} : vector<27x64x256xf32> to vector<1x64x256xf32>
    %squeeze3A_655 = vector.shape_cast %slice3A_654 : vector<1x64x256xf32> to vector<64x256xf32>
    %broadcast_in_dim3A_656 = vector.shape_cast %squeeze3A_655 : vector<64x256xf32> to vector<1x64x256xf32>
    %mul3A_657 = vector.broadcast %broadcast_in_dim3A_656 : vector<1x64x256xf32> to vector<17x64x256xf32>
    %mul3A_658 = arith.mulf %slice3A_653, %mul3A_657 : vector<17x64x256xf32>
    %reduce_sum3A_659 = arith.constant dense<0.000000e+00> : vector<17x256xf32>
    %reduce_sum3A_660 = vector.multi_reduction <add>, %mul3A_658, %reduce_sum3A_659 [1] : vector<17x64x256xf32> to vector<17x256xf32>
    %slice3A_661 = vector.extract_strided_slice %stack3A_528 {offsets = [0, 0, 0], sizes = [18, 64, 256], strides = [1, 1, 1]} : vector<27x64x256xf32> to vector<18x64x256xf32>
    %slice3A_662 = vector.extract_strided_slice %stack3A_528 {offsets = [18, 0, 0], sizes = [1, 64, 256], strides = [1, 1, 1]} : vector<27x64x256xf32> to vector<1x64x256xf32>
    %squeeze3A_663 = vector.shape_cast %slice3A_662 : vector<1x64x256xf32> to vector<64x256xf32>
    %broadcast_in_dim3A_664 = vector.shape_cast %squeeze3A_663 : vector<64x256xf32> to vector<1x64x256xf32>
    %mul3A_665 = vector.broadcast %broadcast_in_dim3A_664 : vector<1x64x256xf32> to vector<18x64x256xf32>
    %mul3A_666 = arith.mulf %slice3A_661, %mul3A_665 : vector<18x64x256xf32>
    %reduce_sum3A_667 = arith.constant dense<0.000000e+00> : vector<18x256xf32>
    %reduce_sum3A_668 = vector.multi_reduction <add>, %mul3A_666, %reduce_sum3A_667 [1] : vector<18x64x256xf32> to vector<18x256xf32>
    %slice3A_669 = vector.extract_strided_slice %stack3A_528 {offsets = [0, 0, 0], sizes = [19, 64, 256], strides = [1, 1, 1]} : vector<27x64x256xf32> to vector<19x64x256xf32>
    %slice3A_670 = vector.extract_strided_slice %stack3A_528 {offsets = [19, 0, 0], sizes = [1, 64, 256], strides = [1, 1, 1]} : vector<27x64x256xf32> to vector<1x64x256xf32>
    %squeeze3A_671 = vector.shape_cast %slice3A_670 : vector<1x64x256xf32> to vector<64x256xf32>
    %broadcast_in_dim3A_672 = vector.shape_cast %squeeze3A_671 : vector<64x256xf32> to vector<1x64x256xf32>
    %mul3A_673 = vector.broadcast %broadcast_in_dim3A_672 : vector<1x64x256xf32> to vector<19x64x256xf32>
    %mul3A_674 = arith.mulf %slice3A_669, %mul3A_673 : vector<19x64x256xf32>
    %reduce_sum3A_675 = arith.constant dense<0.000000e+00> : vector<19x256xf32>
    %reduce_sum3A_676 = vector.multi_reduction <add>, %mul3A_674, %reduce_sum3A_675 [1] : vector<19x64x256xf32> to vector<19x256xf32>
    %slice3A_677 = vector.extract_strided_slice %stack3A_528 {offsets = [0, 0, 0], sizes = [20, 64, 256], strides = [1, 1, 1]} : vector<27x64x256xf32> to vector<20x64x256xf32>
    %slice3A_678 = vector.extract_strided_slice %stack3A_528 {offsets = [20, 0, 0], sizes = [1, 64, 256], strides = [1, 1, 1]} : vector<27x64x256xf32> to vector<1x64x256xf32>
    %squeeze3A_679 = vector.shape_cast %slice3A_678 : vector<1x64x256xf32> to vector<64x256xf32>
    %broadcast_in_dim3A_680 = vector.shape_cast %squeeze3A_679 : vector<64x256xf32> to vector<1x64x256xf32>
    %mul3A_681 = vector.broadcast %broadcast_in_dim3A_680 : vector<1x64x256xf32> to vector<20x64x256xf32>
    %mul3A_682 = arith.mulf %slice3A_677, %mul3A_681 : vector<20x64x256xf32>
    %reduce_sum3A_683 = arith.constant dense<0.000000e+00> : vector<20x256xf32>
    %reduce_sum3A_684 = vector.multi_reduction <add>, %mul3A_682, %reduce_sum3A_683 [1] : vector<20x64x256xf32> to vector<20x256xf32>
    %slice3A_685 = vector.extract_strided_slice %stack3A_528 {offsets = [0, 0, 0], sizes = [21, 64, 256], strides = [1, 1, 1]} : vector<27x64x256xf32> to vector<21x64x256xf32>
    %slice3A_686 = vector.extract_strided_slice %stack3A_528 {offsets = [21, 0, 0], sizes = [1, 64, 256], strides = [1, 1, 1]} : vector<27x64x256xf32> to vector<1x64x256xf32>
    %squeeze3A_687 = vector.shape_cast %slice3A_686 : vector<1x64x256xf32> to vector<64x256xf32>
    %broadcast_in_dim3A_688 = vector.shape_cast %squeeze3A_687 : vector<64x256xf32> to vector<1x64x256xf32>
    %mul3A_689 = vector.broadcast %broadcast_in_dim3A_688 : vector<1x64x256xf32> to vector<21x64x256xf32>
    %mul3A_690 = arith.mulf %slice3A_685, %mul3A_689 : vector<21x64x256xf32>
    %reduce_sum3A_691 = arith.constant dense<0.000000e+00> : vector<21x256xf32>
    %reduce_sum3A_692 = vector.multi_reduction <add>, %mul3A_690, %reduce_sum3A_691 [1] : vector<21x64x256xf32> to vector<21x256xf32>
    %slice3A_693 = vector.extract_strided_slice %stack3A_528 {offsets = [0, 0, 0], sizes = [22, 64, 256], strides = [1, 1, 1]} : vector<27x64x256xf32> to vector<22x64x256xf32>
    %slice3A_694 = vector.extract_strided_slice %stack3A_528 {offsets = [22, 0, 0], sizes = [1, 64, 256], strides = [1, 1, 1]} : vector<27x64x256xf32> to vector<1x64x256xf32>
    %squeeze3A_695 = vector.shape_cast %slice3A_694 : vector<1x64x256xf32> to vector<64x256xf32>
    %broadcast_in_dim3A_696 = vector.shape_cast %squeeze3A_695 : vector<64x256xf32> to vector<1x64x256xf32>
    %mul3A_697 = vector.broadcast %broadcast_in_dim3A_696 : vector<1x64x256xf32> to vector<22x64x256xf32>
    %mul3A_698 = arith.mulf %slice3A_693, %mul3A_697 : vector<22x64x256xf32>
    %reduce_sum3A_699 = arith.constant dense<0.000000e+00> : vector<22x256xf32>
    %reduce_sum3A_700 = vector.multi_reduction <add>, %mul3A_698, %reduce_sum3A_699 [1] : vector<22x64x256xf32> to vector<22x256xf32>
    %slice3A_701 = vector.extract_strided_slice %stack3A_528 {offsets = [0, 0, 0], sizes = [23, 64, 256], strides = [1, 1, 1]} : vector<27x64x256xf32> to vector<23x64x256xf32>
    %slice3A_702 = vector.extract_strided_slice %stack3A_528 {offsets = [23, 0, 0], sizes = [1, 64, 256], strides = [1, 1, 1]} : vector<27x64x256xf32> to vector<1x64x256xf32>
    %squeeze3A_703 = vector.shape_cast %slice3A_702 : vector<1x64x256xf32> to vector<64x256xf32>
    %broadcast_in_dim3A_704 = vector.shape_cast %squeeze3A_703 : vector<64x256xf32> to vector<1x64x256xf32>
    %mul3A_705 = vector.broadcast %broadcast_in_dim3A_704 : vector<1x64x256xf32> to vector<23x64x256xf32>
    %mul3A_706 = arith.mulf %slice3A_701, %mul3A_705 : vector<23x64x256xf32>
    %reduce_sum3A_707 = arith.constant dense<0.000000e+00> : vector<23x256xf32>
    %reduce_sum3A_708 = vector.multi_reduction <add>, %mul3A_706, %reduce_sum3A_707 [1] : vector<23x64x256xf32> to vector<23x256xf32>
    %slice3A_709 = vector.extract_strided_slice %stack3A_528 {offsets = [0, 0, 0], sizes = [24, 64, 256], strides = [1, 1, 1]} : vector<27x64x256xf32> to vector<24x64x256xf32>
    %slice3A_710 = vector.extract_strided_slice %stack3A_528 {offsets = [24, 0, 0], sizes = [1, 64, 256], strides = [1, 1, 1]} : vector<27x64x256xf32> to vector<1x64x256xf32>
    %squeeze3A_711 = vector.shape_cast %slice3A_710 : vector<1x64x256xf32> to vector<64x256xf32>
    %broadcast_in_dim3A_712 = vector.shape_cast %squeeze3A_711 : vector<64x256xf32> to vector<1x64x256xf32>
    %mul3A_713 = vector.broadcast %broadcast_in_dim3A_712 : vector<1x64x256xf32> to vector<24x64x256xf32>
    %mul3A_714 = arith.mulf %slice3A_709, %mul3A_713 : vector<24x64x256xf32>
    %reduce_sum3A_715 = arith.constant dense<0.000000e+00> : vector<24x256xf32>
    %reduce_sum3A_716 = vector.multi_reduction <add>, %mul3A_714, %reduce_sum3A_715 [1] : vector<24x64x256xf32> to vector<24x256xf32>
    %slice3A_717 = vector.extract_strided_slice %stack3A_528 {offsets = [0, 0, 0], sizes = [25, 64, 256], strides = [1, 1, 1]} : vector<27x64x256xf32> to vector<25x64x256xf32>
    %slice3A_718 = vector.extract_strided_slice %stack3A_528 {offsets = [25, 0, 0], sizes = [1, 64, 256], strides = [1, 1, 1]} : vector<27x64x256xf32> to vector<1x64x256xf32>
    %squeeze3A_719 = vector.shape_cast %slice3A_718 : vector<1x64x256xf32> to vector<64x256xf32>
    %broadcast_in_dim3A_720 = vector.shape_cast %squeeze3A_719 : vector<64x256xf32> to vector<1x64x256xf32>
    %mul3A_721 = vector.broadcast %broadcast_in_dim3A_720 : vector<1x64x256xf32> to vector<25x64x256xf32>
    %mul3A_722 = arith.mulf %slice3A_717, %mul3A_721 : vector<25x64x256xf32>
    %reduce_sum3A_723 = arith.constant dense<0.000000e+00> : vector<25x256xf32>
    %reduce_sum3A_724 = vector.multi_reduction <add>, %mul3A_722, %reduce_sum3A_723 [1] : vector<25x64x256xf32> to vector<25x256xf32>
    %slice3A_725 = vector.extract_strided_slice %stack3A_528 {offsets = [0, 0, 0], sizes = [26, 64, 256], strides = [1, 1, 1]} : vector<27x64x256xf32> to vector<26x64x256xf32>
    %slice3A_726 = vector.extract_strided_slice %stack3A_528 {offsets = [26, 0, 0], sizes = [1, 64, 256], strides = [1, 1, 1]} : vector<27x64x256xf32> to vector<1x64x256xf32>
    %squeeze3A_727 = vector.shape_cast %slice3A_726 : vector<1x64x256xf32> to vector<64x256xf32>
    %broadcast_in_dim3A_728 = vector.shape_cast %squeeze3A_727 : vector<64x256xf32> to vector<1x64x256xf32>
    %mul3A_729 = vector.broadcast %broadcast_in_dim3A_728 : vector<1x64x256xf32> to vector<26x64x256xf32>
    %mul3A_730 = arith.mulf %slice3A_725, %mul3A_729 : vector<26x64x256xf32>
    %reduce_sum3A_731 = arith.constant dense<0.000000e+00> : vector<26x256xf32>
    %reduce_sum3A_732 = vector.multi_reduction <add>, %mul3A_730, %reduce_sum3A_731 [1] : vector<26x64x256xf32> to vector<26x256xf32>
    %concatenate3A = tpu.concatenate %reduce_sum3A_532, %reduce_sum3A_540, %reduce_sum3A_548, %reduce_sum3A_556, %reduce_sum3A_564, %reduce_sum3A_572, %reduce_sum3A_580, %reduce_sum3A_588, %reduce_sum3A_596, %reduce_sum3A_604, %reduce_sum3A_612, %reduce_sum3A_620, %reduce_sum3A_628, %reduce_sum3A_636, %reduce_sum3A_644, %reduce_sum3A_652, %reduce_sum3A_660, %reduce_sum3A_668, %reduce_sum3A_676, %reduce_sum3A_684, %reduce_sum3A_692, %reduce_sum3A_700, %reduce_sum3A_708, %reduce_sum3A_716, %reduce_sum3A_724, %reduce_sum3A_732 in 0 : vector<1x256xf32>, vector<2x256xf32>, vector<3x256xf32>, vector<4x256xf32>, vector<5x256xf32>, vector<6x256xf32>, vector<7x256xf32>, vector<8x256xf32>, vector<9x256xf32>, vector<10x256xf32>, vector<11x256xf32>, vector<12x256xf32>, vector<13x256xf32>, vector<14x256xf32>, vector<15x256xf32>, vector<16x256xf32>, vector<17x256xf32>, vector<18x256xf32>, vector<19x256xf32>, vector<20x256xf32>, vector<21x256xf32>, vector<22x256xf32>, vector<23x256xf32>, vector<24x256xf32>, vector<25x256xf32>, vector<26x256xf32> -> vector<351x256xf32>
    %concatenate3A_733 = tpu.concatenate %max3A_37, %concatenate3A in 0 : vector<64x256xf32>, vector<351x256xf32> -> vector<415x256xf32>
    %get3A_734 = arith.constant 0 : index
    %get3A_735 = arith.constant 0 : index
    %get3A_736 = vector.load %arg10[%get3A_734, %get3A_735] : memref<1024x415xf32, #tpu.memory_space<vmem>>, vector<1024x415xf32>
    %dot_general3A_737 = arith.constant dense<0.000000e+00> : vector<1024x256xf32>
    %dot_general3A_738 = tpu.matmul %get3A_736, %concatenate3A_733, %dot_general3A_737 {dimension_numbers = #tpu.dot_dimension_numbers<[1], [0], [0], [1], [0, 0, 1, 1], [], []>, transpose_lhs_hint = false} : vector<1024x415xf32>, vector<415x256xf32>, vector<1024x256xf32> -> vector<1024x256xf32>
    %get3A_739 = arith.constant 0 : index
    %get3A_740 = arith.constant 0 : index
    %get3A_741 = vector.load %arg11[%get3A_739, %get3A_740] : memref<1024x1xf32, #tpu.memory_space<vmem>>, vector<1024x1xf32>
    %add3A_742 = vector.broadcast %get3A_741 : vector<1024x1xf32> to vector<1024x256xf32>
    %add3A_743 = arith.addf %dot_general3A_738, %add3A_742 : vector<1024x256xf32>
    %max3A_744 = arith.constant 0.000000e+00 : f32
    %max3A_745 = vector.broadcast %max3A_744 : f32 to vector<1024x256xf32>
    %max3A_746 = arith.maximumf %add3A_743, %max3A_745 : vector<1024x256xf32>
    %get3A_747 = arith.constant 0 : index
    %get3A_748 = arith.constant 0 : index
    %get3A_749 = vector.load %arg12[%get3A_747, %get3A_748] : memref<1024x1024xf32, #tpu.memory_space<vmem>>, vector<1024x1024xf32>
    %dot_general3A_750 = arith.constant dense<0.000000e+00> : vector<1024x256xf32>
    %dot_general3A_751 = tpu.matmul %get3A_749, %max3A_746, %dot_general3A_750 {dimension_numbers = #tpu.dot_dimension_numbers<[1], [0], [0], [1], [0, 0, 1, 1], [], []>, transpose_lhs_hint = false} : vector<1024x1024xf32>, vector<1024x256xf32>, vector<1024x256xf32> -> vector<1024x256xf32>
    %get3A_752 = arith.constant 0 : index
    %get3A_753 = arith.constant 0 : index
    %get3A_754 = vector.load %arg13[%get3A_752, %get3A_753] : memref<1024x1xf32, #tpu.memory_space<vmem>>, vector<1024x1xf32>
    %add3A_755 = vector.broadcast %get3A_754 : vector<1024x1xf32> to vector<1024x256xf32>
    %add3A_756 = arith.addf %dot_general3A_751, %add3A_755 : vector<1024x256xf32>
    %max3A_757 = arith.constant 0.000000e+00 : f32
    %max3A_758 = vector.broadcast %max3A_757 : f32 to vector<1024x256xf32>
    %max3A_759 = arith.maximumf %add3A_756, %max3A_758 : vector<1024x256xf32>
    %get3A_760 = arith.constant 0 : index
    %get3A_761 = arith.constant 0 : index
    %get3A_762 = vector.load %arg14[%get3A_760, %get3A_761] : memref<512x1024xf32, #tpu.memory_space<vmem>>, vector<512x1024xf32>
    %dot_general3A_763 = arith.constant dense<0.000000e+00> : vector<512x256xf32>
    %dot_general3A_764 = tpu.matmul %get3A_762, %max3A_759, %dot_general3A_763 {dimension_numbers = #tpu.dot_dimension_numbers<[1], [0], [0], [1], [0, 0, 1, 1], [], []>, transpose_lhs_hint = false} : vector<512x1024xf32>, vector<1024x256xf32>, vector<512x256xf32> -> vector<512x256xf32>
    %get3A_765 = arith.constant 0 : index
    %get3A_766 = arith.constant 0 : index
    %get3A_767 = vector.load %arg15[%get3A_765, %get3A_766] : memref<512x1xf32, #tpu.memory_space<vmem>>, vector<512x1xf32>
    %add3A_768 = vector.broadcast %get3A_767 : vector<512x1xf32> to vector<512x256xf32>
    %add3A_769 = arith.addf %dot_general3A_764, %add3A_768 : vector<512x256xf32>
    %max3A_770 = arith.constant 0.000000e+00 : f32
    %max3A_771 = vector.broadcast %max3A_770 : f32 to vector<512x256xf32>
    %max3A_772 = arith.maximumf %add3A_769, %max3A_771 : vector<512x256xf32>
    %get3A_773 = arith.constant 0 : index
    %get3A_774 = arith.constant 0 : index
    %get3A_775 = vector.load %arg16[%get3A_773, %get3A_774] : memref<256x512xf32, #tpu.memory_space<vmem>>, vector<256x512xf32>
    %dot_general3A_776 = arith.constant dense<0.000000e+00> : vector<256x256xf32>
    %dot_general3A_777 = tpu.matmul %get3A_775, %max3A_772, %dot_general3A_776 {dimension_numbers = #tpu.dot_dimension_numbers<[1], [0], [0], [1], [0, 0, 1, 1], [], []>, transpose_lhs_hint = false} : vector<256x512xf32>, vector<512x256xf32>, vector<256x256xf32> -> vector<256x256xf32>
    %get3A_778 = arith.constant 0 : index
    %get3A_779 = arith.constant 0 : index
    %get3A_780 = vector.load %arg17[%get3A_778, %get3A_779] : memref<256x1xf32, #tpu.memory_space<vmem>>, vector<256x1xf32>
    %add3A_781 = vector.broadcast %get3A_780 : vector<256x1xf32> to vector<256x256xf32>
    %add3A_782 = arith.addf %dot_general3A_777, %add3A_781 : vector<256x256xf32>
    %max3A_783 = arith.constant 0.000000e+00 : f32
    %max3A_784 = vector.broadcast %max3A_783 : f32 to vector<256x256xf32>
    %max3A_785 = arith.maximumf %add3A_782, %max3A_784 : vector<256x256xf32>
    %get3A_786 = arith.constant 0 : index
    %get3A_787 = arith.constant 0 : index
    %get3A_788 = vector.load %arg18[%get3A_786, %get3A_787] : memref<1x256xf32, #tpu.memory_space<vmem>>, vector<1x256xf32>
    %dot_general3A_789 = arith.constant dense<0.000000e+00> : vector<1x256xf32>
    %dot_general3A_790 = tpu.matmul %get3A_788, %max3A_785, %dot_general3A_789 {dimension_numbers = #tpu.dot_dimension_numbers<[1], [0], [0], [1], [0, 0, 1, 1], [], []>, transpose_lhs_hint = false} : vector<1x256xf32>, vector<256x256xf32>, vector<1x256xf32> -> vector<1x256xf32>
    %get3A_791 = arith.constant 0 : index
    %get3A_792 = arith.constant 0 : index
    %get3A_793 = vector.load %arg19[%get3A_791, %get3A_792] : memref<1x1xf32, #tpu.memory_space<vmem>>, vector<1x1xf32>
    %add3A_794 = vector.broadcast %get3A_793 : vector<1x1xf32> to vector<1x256xf32>
    %add3A_795 = arith.addf %dot_general3A_790, %add3A_794 : vector<1x256xf32>
    %swap3A = arith.constant 0 : index
    %swap3A_796 = arith.constant 0 : index
    %swap3A_797 = vector.load %arg20[%swap3A, %swap3A_796] : memref<1x256xf32, #tpu.memory_space<vmem>>, vector<1x256xf32>
    tpu.vector_store %arg20[%swap3A, %swap3A_796], %add3A_795 {strides = array<i32>} : memref<1x256xf32, #tpu.memory_space<vmem>>, vector<1x256xf32>,
    return
  }
  func.func @transform_0(%arg0: i32) -> (i32, i32) {
    %c0_i32 = arith.constant 0 : i32
    %c0_i32_0 = arith.constant 0 : i32
    return %c0_i32, %arg0 : i32, i32
  }
  func.func @transform_1(%arg0: i32) -> (i32, i32, i32) {
    %c0_i32 = arith.constant 0 : i32
    %c0_i32_0 = arith.constant 0 : i32
    %c0_i32_1 = arith.constant 0 : i32
    return %c0_i32, %arg0, %c0_i32_0 : i32, i32, i32
  }
  func.func @transform_2(%arg0: i32) -> (i32, i32, i32) {
    %c0_i32 = arith.constant 0 : i32
    %c0_i32_0 = arith.constant 0 : i32
    %c0_i32_1 = arith.constant 0 : i32
    return %c0_i32, %c0_i32_0, %arg0 : i32, i32, i32
  }
  func.func @transform_3(%arg0: i32) -> (i32, i32) {
    %c0_i32 = arith.constant 0 : i32
    %c0_i32_0 = arith.constant 0 : i32
    %c0_i32_1 = arith.constant 0 : i32
    return %c0_i32, %c0_i32_0 : i32, i32
  }
  func.func @transform_4(%arg0: i32) -> (i32, i32) {
    %c0_i32 = arith.constant 0 : i32
    %c0_i32_0 = arith.constant 0 : i32
    %c0_i32_1 = arith.constant 0 : i32
    return %c0_i32, %c0_i32_0 : i32, i32
  }
  func.func @transform_5(%arg0: i32) -> (i32, i32) {
    %c0_i32 = arith.constant 0 : i32
    %c0_i32_0 = arith.constant 0 : i32
    %c0_i32_1 = arith.constant 0 : i32
    return %c0_i32, %c0_i32_0 : i32, i32
  }
  func.func @transform_6(%arg0: i32) -> (i32, i32) {
    %c0_i32 = arith.constant 0 : i32
    %c0_i32_0 = arith.constant 0 : i32
    %c0_i32_1 = arith.constant 0 : i32
    return %c0_i32, %c0_i32_0 : i32, i32
  }
  func.func @transform_7(%arg0: i32) -> (i32, i32) {
    %c0_i32 = arith.constant 0 : i32
    %c0_i32_0 = arith.constant 0 : i32
    %c0_i32_1 = arith.constant 0 : i32
    return %c0_i32, %c0_i32_0 : i32, i32
  }
  func.func @transform_8(%arg0: i32) -> (i32, i32) {
    %c0_i32 = arith.constant 0 : i32
    %c0_i32_0 = arith.constant 0 : i32
    %c0_i32_1 = arith.constant 0 : i32
    return %c0_i32, %c0_i32_0 : i32, i32
  }
  func.func @transform_9(%arg0: i32) -> (i32, i32) {
    %c0_i32 = arith.constant 0 : i32
    %c0_i32_0 = arith.constant 0 : i32
    %c0_i32_1 = arith.constant 0 : i32
    return %c0_i32, %c0_i32_0 : i32, i32
  }
  func.func @transform_10(%arg0: i32) -> (i32, i32) {
    %c0_i32 = arith.constant 0 : i32
    %c0_i32_0 = arith.constant 0 : i32
    %c0_i32_1 = arith.constant 0 : i32
    return %c0_i32, %c0_i32_0 : i32, i32
  }
  func.func @transform_11(%arg0: i32) -> (i32, i32) {
    %c0_i32 = arith.constant 0 : i32
    %c0_i32_0 = arith.constant 0 : i32
    %c0_i32_1 = arith.constant 0 : i32
    return %c0_i32, %c0_i32_0 : i32, i32
  }
  func.func @transform_12(%arg0: i32) -> (i32, i32) {
    %c0_i32 = arith.constant 0 : i32
    %c0_i32_0 = arith.constant 0 : i32
    %c0_i32_1 = arith.constant 0 : i32
    return %c0_i32, %c0_i32_0 : i32, i32
  }
  func.func @transform_13(%arg0: i32) -> (i32, i32) {
    %c0_i32 = arith.constant 0 : i32
    %c0_i32_0 = arith.constant 0 : i32
    %c0_i32_1 = arith.constant 0 : i32
    return %c0_i32, %c0_i32_0 : i32, i32
  }
  func.func @transform_14(%arg0: i32) -> (i32, i32) {
    %c0_i32 = arith.constant 0 : i32
    %c0_i32_0 = arith.constant 0 : i32
    %c0_i32_1 = arith.constant 0 : i32
    return %c0_i32, %c0_i32_0 : i32, i32
  }
  func.func @transform_15(%arg0: i32) -> (i32, i32) {
    %c0_i32 = arith.constant 0 : i32
    %c0_i32_0 = arith.constant 0 : i32
    %c0_i32_1 = arith.constant 0 : i32
    return %c0_i32, %c0_i32_0 : i32, i32
  }
  func.func @transform_16(%arg0: i32) -> (i32, i32) {
    %c0_i32 = arith.constant 0 : i32
    %c0_i32_0 = arith.constant 0 : i32
    %c0_i32_1 = arith.constant 0 : i32
    return %c0_i32, %c0_i32_0 : i32, i32
  }
  func.func @transform_17(%arg0: i32) -> (i32, i32) {
    %c0_i32 = arith.constant 0 : i32
    %c0_i32_0 = arith.constant 0 : i32
    %c0_i32_1 = arith.constant 0 : i32
    return %c0_i32, %c0_i32_0 : i32, i32
  }
  func.func @transform_18(%arg0: i32) -> (i32, i32) {
    %c0_i32 = arith.constant 0 : i32
    %c0_i32_0 = arith.constant 0 : i32
    %c0_i32_1 = arith.constant 0 : i32
    return %c0_i32, %c0_i32_0 : i32, i32
  }
  func.func @transform_19(%arg0: i32) -> (i32, i32) {
    %c0_i32 = arith.constant 0 : i32
    %c0_i32_0 = arith.constant 0 : i32
    return %c0_i32, %arg0 : i32, i32
  }
}

</mosaic_0001>

<sc_bundles>
// kernel: kernel.5.cloned.1.call-start
scs
__scs_entry_jumppad:
0x0: {  	(pc) =	sbr.rel $0x88, $3  }
0x1: {  	(tag) =	ssettag $0x0;
	lr =	simm.s32 $0x1  }
0x2: {  	[smem:$0x3F8E] =	sst lr;
	_ =	strace $0xD0000000  }
0x3: {  	_ = 	snop  }
0x4: {  	_ = 	snop  }
0x5: {  	_ = 	snop  }
0x6: {  	_ = 	snop  }
0x7: {  	_ = 	snop  }
__scs_overlays_trampoline_lowered:
0x8: {  	[smem:$0x3F9D] =	sst s0  }
0x9: {  	[smem:$0x3F9E] =	sst s1  }
0xa: {  	[smem:$0x3F9F] =	sst s2  }
0xb: {  	[smem:$0x3FA0] =	sst s3  }
0xc: {  	[smem:$0x3FA1] =	sst s4  }
0xd: {  	[smem:$0x3FA2] =	sst s5  }
0xe: {  	[smem:$0x3FA3] =	sst s6  }
0xf: {  	[smem:$0x3FA4] =	sst s7  }
0x10: {  	[smem:$0x3FA5] =	sst s8  }
0x11: {  	[smem:$0x3FA6] =	sst s9;
	s0 =	simm.s32 @!p0 $0x0  }
0x12: {  	s1 =	sld [smem:$0x3F8C];
	s0 =	simm.s32 @p0 $0x1  }
0x13: {  	[smem:$0x3FA7] =	sst s0;
	s0 =	simm.s32 @!p1 $0x0  }
0x14: {  	s2 =	sld [smem:$0x3F8B];
	s0 =	simm.s32 @p1 $0x1  }
0x15: {  	[smem:$0x3FA8] =	sst s0;
	s0 =	simm.s32 @!p2 $0x0  }
0x16: {  	s3 =	sld [smem:$0x3FDB];
	s0 =	simm.s32 @p2 $0x1  }
0x17: {  	s4 =	simm.s32 $0x1BF5;
	[smem:$0x3FAA] =	sst s0  }
0x18: {  	s0 =	sld [smem:$0x3F8D];
	_ =	swait.ge [sflag:s4], $0x0  }
0x19: {  	s7 =	sld [smem:$0x3F8E]  }
0x1a: {  	s8 =	sadd.s32 $0xFFFFE003, lr  }
0x1b: {  	s9 =	sadd.s32 $0xFFFFFEF7, lr;
	s5 =	simm.s32 $0xFFFFFFFF;
	p2 =	slt.u32 s8, $0xFFFFF086  }
0x1c: {  	p1 =	slt.u32 s9, $0xF7A;
	s5 =	simm.s32 @!p2 $0x0  }
0x1d: {  	s5 =	simm.s32 @p1 $0x1;
	p0 =	seq.s32 s7, s2  }
0x1e: {  	s7 =	smul.u32 @!p0 $0xF7A, s2;
	p2 =	seq.s32 @!p0 s5, $0x0  }
0x1f: {  	s9 =	smul.u32 $0xF7A, s1;
	s8 =	simm.s32 @!p0 $0x1BF5;
	p2 =	por !p2, p0  }
0x20: {  	[sflag:s8] =	ssyncset.s32 @!p0 $0xFFFFF086;
	s6 =	sadd.s32 @!p0 s3, s7;
	s7 =	simm.s32 @!p0 $0x108  }
0x21: {  	s3 =	sadd.s32 s3, s9;
	s6 =	sadd.s32 @!p0 $0x88, s6;
	s7 =	simm.s32 @p2 $0x1082  }
0x22: {  	[simem:s7], [sflag:s8] =	dma.local @!p0 [hbm:s6], $0xF7A  }
0x23: {  	s9 =	sor.u32 $0xD0000000, s2;
	s6 =	simm.s32 $0x108;
	_ =	swait.ge @!p0 [sflag:s8], $0x0  }
0x24: {  	s3 =	sadd.s32 $0x88, s3;
	s6 =	simm.s32 @!p1 $0x1082;
	[sflag:s4] =	ssyncset.s32 $0xFFFFF086  }
0x25: {  	[simem:s6], [sflag:s4] =	dma.local [hbm:s3], $0xF7A  }
0x26: {  	[smem:$0x3F8E] =	sst s1;
	(tag) =	ssettag s2;
	_ =	strace s9  }
0x27: {  	s1 =	sld [smem:$0x3F9E]  }
0x28: {  	s2 =	sld [smem:$0x3F9F]  }
0x29: {  	s4 =	sld [smem:$0x3FA1]  }
0x2a: {  	p0 =	seq.s32 s5, $0x0;
	s5 =	sld [smem:$0x3FA2]  }
0x2b: {  	s6 =	sld [smem:$0x3FA3]  }
0x2c: {  	s7 =	sld [smem:$0x3FA4]  }
0x2d: {  	s3 =	simm.s32 $0x108;
	s8 =	sld [smem:$0x3FA5]  }
0x2e: {  	s3 =	simm.s32 @!p0 $0x1082;
	s9 =	sld [smem:$0x3FA6]  }
0x2f: {  	lr =	sadd.s32 s0, s3;
	s0 =	sld [smem:$0x3F9D]  }
0x30: {  	s3 =	sld [smem:$0x3FA0]  }
0x31: {  	[smem:$0x3FA9] =	sst s10  }
0x32: {  	s10 =	sld [smem:$0x3FA7];
	_ =	sdelay $0x3  }
0x33: {  	p0 =	seq.s32 s10, $0x1;
	s10 =	sld [smem:$0x3FA9];
	_ =	sdelay $0x3  }
0x34: {  	[smem:$0x3FA9] =	sst s10  }
0x35: {  	s10 =	sld [smem:$0x3FA8];
	_ =	sdelay $0x3  }
0x36: {  	p1 =	seq.s32 s10, $0x1;
	s10 =	sld [smem:$0x3FA9];
	_ =	sdelay $0x3  }
0x37: {  	[smem:$0x3FA9] =	sst s10  }
0x38: {  	s10 =	sld [smem:$0x3FAA]  }
0x39: {  	_ = 	snop;
	(pc) =	sbr.ind lr, $3  }
0x3a: {  	_ = 	snop  }
0x3b: {  	_ = 	snop  }
0x3c: {  	p2 =	seq.s32 s10, $0x1;
	s10 =	sld [smem:$0x3FA9]  }
0x3d: {  	_ =	shalt  }
0x3e: {  	_ =	shalt  }
0x3f: {  	_ =	shalt  }
0x40: {  	_ =	shalt  }
0x41: {  	_ =	shalt  }
0x42: {  	_ =	shalt  }
0x43: {  	_ =	shalt  }
0x44: {  	_ =	shalt  }
0x45: {  	_ =	shalt  }
0x46: {  	_ =	shalt  }
0x47: {  	_ =	shalt  }
0x48: {  	_ =	shalt  }
0x49: {  	_ =	shalt  }
0x4a: {  	_ =	shalt  }
0x4b: {  	_ =	shalt  }
0x4c: {  	_ =	shalt  }
0x4d: {  	_ =	shalt  }
0x4e: {  	_ =	shalt  }
0x4f: {  	_ =	shalt  }
0x50: {  	_ =	shalt  }
0x51: {  	_ =	shalt  }
0x52: {  	_ =	shalt  }
0x53: {  	_ =	shalt  }
0x54: {  	_ =	shalt  }
0x55: {  	_ =	shalt  }
0x56: {  	_ =	shalt  }
0x57: {  	_ =	shalt  }
0x58: {  	_ =	shalt  }
0x59: {  	_ =	shalt  }
0x5a: {  	_ =	shalt  }
0x5b: {  	_ =	shalt  }
0x5c: {  	_ =	shalt  }
0x5d: {  	_ =	shalt  }
0x5e: {  	_ =	shalt  }
0x5f: {  	_ =	shalt  }
0x60: {  	_ =	shalt  }
0x61: {  	_ =	shalt  }
0x62: {  	_ =	shalt  }
0x63: {  	_ =	shalt  }
0x64: {  	_ =	shalt  }
0x65: {  	_ =	shalt  }
0x66: {  	_ =	shalt  }
0x67: {  	_ =	shalt  }
0x68: {  	_ =	shalt  }
0x69: {  	_ =	shalt  }
0x6a: {  	_ =	shalt  }
0x6b: {  	_ =	shalt  }
0x6c: {  	_ =	shalt  }
0x6d: {  	_ =	shalt  }
0x6e: {  	_ =	shalt  }
0x6f: {  	_ =	shalt  }
0x70: {  	_ =	shalt  }
0x71: {  	_ =	shalt  }
0x72: {  	_ =	shalt  }
0x73: {  	_ =	shalt  }
0x74: {  	_ =	shalt  }
0x75: {  	_ =	shalt  }
0x76: {  	_ =	shalt  }
0x77: {  	_ =	shalt  }
0x78: {  	_ =	shalt  }
0x79: {  	_ =	shalt  }
0x7a: {  	_ =	shalt  }
0x7b: {  	_ =	shalt  }
0x7c: {  	_ =	shalt  }
0x7d: {  	_ =	shalt  }
0x7e: {  	_ =	shalt  }
0x7f: {  	_ =	shalt  }
0x80: {  	_ =	shalt  }
0x81: {  	_ =	shalt  }
0x82: {  	_ =	shalt  }
0x83: {  	_ =	shalt  }
0x84: {  	_ =	shalt  }
0x85: {  	_ =	shalt  }
0x86: {  	_ =	shalt  }
0x87: {  	_ =	shalt  }
.Lfunc_end0:
.L_simem_size_0:
called_computation_lowered:
.L_overlay_start_0:
0x88: {  	s2 =	sld [smem:$0x3FD9]  }
0x89: {  	s3 =	sld [smem:$0x3FFE];
	_ =	sdelay $0x1  }
0x8a: {  	s1 =	srdreg.scid  }
0x8b: {  	s0 =	sand.u32 $0x1, s1  }
0x8c: {  	s16 =	sshll.u32 s0, $0xA;
	s2 =	sadd.s32 s3, s2  }
0x8d: {  	s2 =	sadd.s32 s2, s16  }
0x8e: {  	[smem:$0x3FB5] =	sst s2  }
0x8f: {  	_ = 	snop  }
0x90: {  	(tm) =	ssettm $0x1  }
0x91: {  	s17 =	sld [smem:$0x3FFB];
	_ =	sdelay $0x3  }
0x92: {  	_ =	strace s17  }
0x93: {  	s2 =	sld [smem:$0x3FFC];
	_ =	sdelay $0x3  }
0x94: {  	_ =	strace s2  }
0x95: {  	s2 =	sld [smem:$0x3FFD];
	_ =	sdelay $0x3  }
0x96: {  	_ =	strace s2  }
0x97: {  	_ =	strace $0x8FFFFFFF  }
0x98: {  	s18 =	sld [smem:$0x3FDB];
	_ =	sdelay $0x1  }
0x99: {  	s19 =	simm.s32 $_scs_section_size  }
0x9a: {  	s4 =	simm.s32 $_size__tile_overlayer_lowered;
	s5 =	simm.s32 $_tile_overlayer_lowered  }
0x9b: {  	s22 =	simm.s32 $0x1BFF;
	s21 =	sshll.u32 s5, $0x1;
	s2 =	sadd.s32 s19, s18  }
0x9c: {  	s6 =	simm.s32 $0x0;
	s20 =	sshll.u32 s4, $0x1;
	s4 =	sadd.s32 s21, s2  }
0x9d: {  	[timem:s6], [sflag:s22] =	dma.local [hbm:s4], s20  }
0x9e: {  	_ =	swait.ge [sflag:s22], s20  }
0x9f: {  	s3 =	ssub.s32 $0x0, s20;
	[sflag:s22] =	ssyncset.done $0x0  }
0xa0: {  	[sflag:s22] =	ssyncadd.s32 s3;
	_ =	sdelay $0x1  }
0xa1: {  	s23 =	simm.s32 $0x1B8B  }
0xa2: {  	_ =	swait.ge [sflag:s23], $0x1  }
0xa3: {  	[sflag:s23] =	ssyncset.done $0x0  }
0xa4: {  	s25 =	simm.s32 $0x1B8E;
	s24 =	sld [smem:$0x3FFE];
	[sflag:s23] =	ssyncadd.s32 $0xFFFFFFFF  }
0xa5: {  	s26 =	simm.s32 $execute0_lowered;
	[smem:$0x3FD2] =	sst s25  }
0xa6: {  	s4 =	sshll.u32 s26, $0x1;
	_ =	strace $0x80000046;
	[dreg:$0x1] =	wrdreg $0xFFFFFFFF  }
0xa7: {  	s28 =	simm.s32 $_size_execute0_lowered;
	s2 =	sadd.s32 s2, s4;
	[dreg:$0x0] =	wrdreg $0x0  }
0xa8: {  	s4 =	sshll.u32 s28, $0x1;
	[dreg:$0x2] =	wrdreg s2  }
0xa9: {  	[dreg:$0x3] =	wrdreg s4  }
0xaa: {  	[dreg:$0x4] =	wrdreg $0xC0  }
0xab: {  	_ =	task [dreg:s6], $0x5FFFF  }
0xac: {  	[dreg:$0x1] =	wrdreg $0xFFFFFFFF  }
0xad: {  	[dreg:$0x0] =	wrdreg $0x60  }
0xae: {  	[dreg:$0x2] =	wrdreg s24  }
0xaf: {  	[dreg:$0x3] =	wrdreg $0x9  }
0xb0: {  	_ =	task.clear_ibuf [dreg:s6], $0x4FFFF;
	_ =	strace $0x90000046  }
0xb1: {  	s29 =	simm.s32 $0x9;
	_ =	strace $0x8000004F  }
0xb2: {  	_ =	swait.ge [sflag:s29], $0x1  }
0xb3: {  	[sflag:s29] =	ssyncadd.s32 $0xFFFFFFFF  }
0xb4: {  	_ =	strace $0x9000004F  }
0xb5: {  	_ =	sfence  }
0xb6: {  	s30 =	sld [smem:$0x0];
	_ =	sdelay $0x2  }
0xb7: {  	s31 =	sshll.u32 s1, $0xD;
	s1 =	sshrl.u32 s1, $0x2  }
0xb8: {  	s3 =	sand.u32 $0x4000, s31;
	s1 =	sadd.s32 s1, s30  }
0xb9: {  	s0 =	sor.u32 s3, s0;
	s1 =	sshll.u32 s1, $0x11  }
0xba: {  	s0 =	sor.u32 s1, s0  }
0xbb: {  	s0 =	sadd.s32 $0x8F2B, s0  }
0xbc: {  	[sflag:s0] =	ssyncadd.remote.s32 $0x1  }
0xbd: {  	_ =	sfence.sel $0xFFFF  }
0xbe: {  	[dreg:$0x0] =	wrdreg $0xFFFFFFFF;
	(pc) =	sbr.abs _section_cstart, $3  }
0xbf: {  	[dreg:$0x1] =	wrdreg $0xFFFFFFFF  }
0xc0: {  	_ =	task.clear_ibuf [dreg:s6], $0x2FFFF;
	_ =	strace $0x9FFFFFFF  }
0xc1: {  	(tm) =	ssettm $0x7FFFFFFF  }
tec
execute0_lowered:
.L_overlay_start_1:
0x0: {  	(tag) =	ssettag $0x1  }
0x1: {  	s3 =	rddreg [dreg:$0x0]  }
0x2: {  	s0 =	rddreg [dreg:$0x1];
	s1 =	simm.s32 $0x0  }
0x3: {  	s2 =	srdreg.scid;
	s8 =	simm.s32 $0x80;
	s9 =	simm.s32 $0x0  }
0x4: {  	[smem:$0x7FF] =	sst s1;
	s4 =	sand.u32 $0x1, s2;
	s5 =	sadd.s32 $0x27AF000, s3  }
0x5: {  	s2 =	stileid.u32;
	s30 =	sadd.s32 $0x1FC00, s3;
	s3 =	sadd.s32 $0x12C00, s3  }
0x6: {  	_ =	strace $0x80000047;
	s6 =	sshll.u32 s4, $0x4;
	[dreg:$0x2] =	wrdreg s5  }
0x7: {  	s4 =	ssub.s32 $0x2, s4;
	[dreg:$0x4] =	wrdreg s30;
	s29 =	sor.u32 s2, s6  }
0x8: {  	[dreg:$0x3] =	wrdreg s8;
	s31 =	sshrl.u32 s4, $0x1;
	s7 =	smul.u32 $0x680, s29  }
0x9: {  	s8 =	simm.s32 $0x5;
	s6 =	ssub.s32 s4, s31;
	s4 =	smul.u32 $0x68, s29  }
0xa: {  	s6 =	smax.u32 s6, $0x1;
	s5 =	sadd.s32 s3, s7;
	s7 =	simm.s32 $0x1  }
.LBB2_1:
0xb: {  	_ =	strace $0x80000048;
	s10 =	simm.s32 $0x1;
	p0 =	por $0x0, $0x0  }
0xc: {  	[tilespmem:s1], [sflag:$0x1] =	stream.linear.gather [hbm4b:s5+s1], $0x80, $0x200038;
	[tilespmem:$0x8100] =	vst v63  }
0xd: {  	s10 =	simm.s32 @p0 $0x0  }
0xe: {  	p4 =	por $0x1, $0x1;
	s19 =	sand.u32 $0x1, s1;
	p1 =	sne.s32 s10, $0x0  }
0xf: {  	p2 =	por $0x1, $0x1;
	s17 =	simm.s32 $0x66;
	p0 =	por !p4, !p1  }
0x10: {  	s15 =	simm.s32 $0x0;
	p5 =	por $0x0, $0x0;
	p0 =	por !p0, !p0  }
0x11: {  	s22 =	sadd.s32 $0x0, s4;
	s30 =	sadd.s32 $0x1, s19;
	s11 =	sadd.s32 @p0 s4, s10  }
0x12: {  	_ =	strace $0x90000048;
	s12 =	sand.u32 @p0 $0x1, s7;
	s11 =	sshll.u32 @p0 s11, $0x4  }
0x13: {  	_ =	strace @p0 $0x80000049;
	s14 =	simm.s32 @p0 $0x0;
	s11 =	sand.u32 @p0 $0x1FFFFFF0, s11  }
0x14: {  	s13 =	sshll.u32 @p0 s12, $0x7;
	s12 =	sadd.s32 @p0 $0x1, s12;
	s11 =	sadd.s32 @p0 s3, s11  }
0x15: {  	[tilespmem:s13], [sflag:s12] =	stream.linear.gather @p0 [hbm4b:s11+s14], $0x80, $0x200038;
	[tilespmem:$0x8100] =	vst v63  }
0x16: {  	p3 =	por p2, p2;
	s20 =	sshll.u32 s19, $0xE;
	_ =	strace @p0 $0x90000049  }
0x17: {  	s15 =	sand.u32 $0x80, s15;
	p2 =	por p5, p5;
	_ =	strace $0x8000004A  }
0x18: {  	s16 =	sadd.s32 $0x1, s10;
	s21 =	sor.u32 $0x100, s20;
	_ =	swait.ge [sflag:s30], $0x80  }
0x19: {  	s20 =	simm.s32 $0x1;
	p6 =	por p1, p1;
	[sflag:s30] =	ssyncset.done $0x0  }
0x1a: {  	p1 =	por p3, p3;
	p4 =	por $0x1, $0x1;
	[sflag:s30] =	ssyncadd.s32 $0xFFFFFF80  }
0x1b: {  	s11 =	simm.s32 $0x67;
	s14 =	sand.u32 @!p3 $0x1, s1;
	_ =	strace $0x9000004A  }
0x1c: {  	s12 =	simm.s32 $0x1;
	p3 =	seq.s32 s16, $0x68;
	_ =	strace $0x8000004B  }
0x1d: {  	s12 =	simm.s32 @!p0 $0x0;
	s16 =	simm.s32 @p3 $0x0;
	s18 =	rddreg [dreg:$0x3]  }
0x1e: {  	p0 =	por $0x0, $0x0;
	s13 =	sadd.s32 $0x1, s12;
	s31 =	rddreg [dreg:$0x2]  }
0x1f: {  	[tilespmem:s21], [sflag:$0x5] =	stream.indirect.gather [hbm4b:s31+s18], $0x80, s15, s18, $0x2000b8;
	[tilespmem:$0x8100] =	vst v63  }
0x20: {  	p3 =	sne.s32 s10, s16;
	s20 =	simm.s32 @!p0 $0x0;
	_ =	swait.ge [sflag:s8], $0x4000  }
0x21: {  	p5 =	por !p4, !p3;
	p4 =	por $0x0, $0x0;
	[sflag:s8] =	ssyncset.done $0x0  }
0x22: {  	s12 =	simm.s32 $0x0;
	p6 =	por p4, p6;
	[sflag:s8] =	ssyncadd.s32 $0xFFFFC000  }
0x23: {  	s15 =	simm.s32 $0x0;
	s18 =	simm.s32 $0x0;
	_ =	strace $0x9000004B  }
.LBB2_2:
0x24: {  	_ =	strace @p6 $0x8000004C;
	s30 =	smov.u32 s11  }
0x25: {  	s11 =	smov.u32 s17;
	s17 =	sadd.s32 $0xFFFFFFFF, s17;
	p0 =	por p3, p3  }
0x26: {  	s26 =	sshll.u32 @p6 s22, $0xB;
	s19 =	sadd.s32 @p6 $0x3, s19;
	s23 =	simm.s32 @!p0 $0x0  }
0x27: {  	s24 =	rddreg [dreg:$0x4];
	s26 =	sand.u32 @p6 $0x1FFFF800, s26;
	s23 =	simm.s32 @p0 $0x1  }
0x28: {  	s24 =	sadd.s32 @p6 s24, s26;
	s26 =	simm.s32 @p6 $0x0;
	p0 =	sne.s32 s17, $0x0  }
0x29: {  	[hbm4b:s24+s26] =	stream.linear.scatter @p6 [tilespmem:s21], [sflag:s19], $0x4000, $0x200038;
	[tilespmem:$0x8100] =	vst v63  }
0x2a: {  	s12 =	sadd.s32 s20, s12;
	s19 =	sadd.s32 @!p1 $0x3, s14;
	s14 =	simm.s32 @!p0 $0x0  }
0x2b: {  	s25 =	simm.s32 $0x1;
	[smem:$0x7FC] =	sst s23;
	s14 =	simm.s32 @p0 $0x1  }
0x2c: {  	s25 =	simm.s32 @!p6 $0x0;
	_ =	strace @p6 $0x9000004C;
	[smem:$0x7FD] =	sst s14  }
0x2d: {  	p5 =	por !p5, !p5;
	s18 =	sadd.s32 s25, s18;
	_ =	strace @!p1 $0x8000004D  }
0x2e: {  	s23 =	sand.u32 @!p2 $0x1, s12;
	s21 =	sand.u32 @p5 $0x1, s13;
	_ =	swait.ge @!p1 [sflag:s19], $0x4000  }
0x2f: {  	s14 =	smov.u32 s23;
	s23 =	sadd.s32 @p5 s4, s16;
	[sflag:s19] =	ssyncset.done @!p1 $0x0  }
0x30: {  	s24 =	sshll.u32 @p5 s21, $0x7;
	s23 =	sshll.u32 @p5 s23, $0x4;
	[sflag:s19] =	ssyncadd.s32 @!p1 $0xFFFFC000  }
0x31: {  	s19 =	sadd.s32 @p5 $0x1, s21;
	s21 =	sand.u32 @p5 $0x1FFFFFF0, s23;
	_ =	strace @!p1 $0x9000004D  }
0x32: {  	s23 =	simm.s32 @p5 $0x0;
	s21 =	sadd.s32 @p5 s3, s21;
	_ =	strace @p5 $0x80000049  }
0x33: {  	[tilespmem:s24], [sflag:s19] =	stream.linear.gather @p5 [hbm4b:s21+s23], $0x80, $0x200038;
	[tilespmem:$0x8100] =	vst v63  }
0x34: {  	s15 =	sadd.s32 s25, s15;
	s25 =	sand.u32 $0x1, s18;
	_ =	strace @p5 $0x90000049  }
0x35: {  	s23 =	sadd.s32 $0x1, s25;
	_ =	strace $0x8000004A  }
0x36: {  	_ =	swait.ge [sflag:s23], $0x80  }
0x37: {  	[sflag:s23] =	ssyncset.done $0x0  }
0x38: {  	s19 =	simm.s32 $0x1;
	[sflag:s23] =	ssyncadd.s32 $0xFFFFFF80  }
0x39: {  	s19 =	simm.s32 @!p5 $0x0;
	_ =	strace $0x9000004A  }
0x3a: {  	s13 =	sadd.s32 s19, s13;
	s19 =	sand.u32 $0x1, s15;
	_ =	strace $0x8000004B  }
0x3b: {  	s31 =	sshll.u32 s18, $0x7;
	s24 =	sshll.u32 s19, $0xE;
	s25 =	rddreg [dreg:$0x3]  }
0x3c: {  	s29 =	sand.u32 $0x80, s31;
	s21 =	sor.u32 $0x100, s24;
	s26 =	rddreg [dreg:$0x2]  }
0x3d: {  	[tilespmem:s21], [sflag:$0x5] =	stream.indirect.gather [hbm4b:s26+s25], $0x80, s29, s25, $0x2000b8;
	[tilespmem:$0x8100] =	vst v63  }
0x3e: {  	_ =	swait.ge [sflag:s8], $0x4000  }
0x3f: {  	[sflag:s8] =	ssyncset.done $0x0  }
0x40: {  	s28 =	sadd.s32 $0x1, s16;
	[sflag:s8] =	ssyncadd.s32 $0xFFFFC000  }
0x41: {  	s22 =	sadd.s32 s4, s10;
	s10 =	smov.u32 s16;
	_ =	strace $0x9000004B  }
0x42: {  	p3 =	seq.s32 s28, $0x68;
	s16 =	smov.u32 s28;
	s31 =	sld [smem:$0x7FD]  }
0x43: {  	s20 =	simm.s32 $0x1;
	s16 =	simm.s32 @p3 $0x0  }
0x44: {  	p6 =	sne.s32 s11, $0x1;
	p0 =	sne.s32 s30, $0x68;
	p3 =	sne.s32 s10, s16  }
0x45: {  	s20 =	simm.s32 @!p0 $0x0;
	p5 =	por !p6, !p3;
	p0 =	seq.s32 s31, $0x1  }
.Ltmp0:
0x46: {  	p6 =	seq.s32 s30, $0x1;
	s30 =	sld [smem:$0x7FC];
	(pc) =	sbr.rel @p0 .LBB2_2-.Ltmp0, $4  }
0x47: {  	_ = 	snop  }
0x48: {  	p4 =	seq.s32 s11, $0x68  }
0x49: {  	p1 =	por p2, p2;
	p2 =	por p4, p4;
	p4 =	seq.s32 s30, $0x1  }
0x4a: {  	p6 =	por p6, p4  }
0x4b: {  	_ =	strace @p6 $0x8000004C;
	s22 =	sshll.u32 @p6 s22, $0xB  }
0x4c: {  	s17 =	rddreg [dreg:$0x4];
	s22 =	sand.u32 @p6 $0x1FFFF800, s22  }
0x4d: {  	s19 =	sadd.s32 @p6 $0x3, s19;
	s17 =	sadd.s32 @p6 s17, s22;
	s22 =	simm.s32 @p6 $0x0  }
0x4e: {  	[hbm4b:s17+s22] =	stream.linear.scatter @p6 [tilespmem:s21], [sflag:s19], $0x4000, $0x200038;
	[tilespmem:$0x8100] =	vst v63  }
0x4f: {  	p0 =	por !p5, !p5;
	_ =	strace @p6 $0x9000004C  }
0x50: {  	s14 =	sadd.s32 @!p1 $0x3, s14;
	s16 =	sadd.s32 @p0 s4, s16;
	_ =	strace @!p1 $0x8000004D  }
0x51: {  	s13 =	sand.u32 @p0 $0x1, s13;
	s16 =	sshll.u32 @p0 s16, $0x4;
	_ =	swait.ge @!p1 [sflag:s14], $0x4000  }
0x52: {  	s17 =	simm.s32 $0x1;
	s19 =	sshll.u32 @p0 s13, $0x7;
	[sflag:s14] =	ssyncset.done @!p1 $0x0  }
0x53: {  	s13 =	sadd.s32 @p0 $0x1, s13;
	s17 =	simm.s32 @!p6 $0x0;
	[sflag:s14] =	ssyncadd.s32 @!p1 $0xFFFFC000  }
0x54: {  	s18 =	sadd.s32 s17, s18;
	s14 =	sand.u32 @p0 $0x1FFFFFF0, s16;
	_ =	strace @!p1 $0x9000004D  }
0x55: {  	s16 =	simm.s32 @p0 $0x0;
	s14 =	sadd.s32 @p0 s3, s14;
	_ =	strace @p0 $0x80000049  }
0x56: {  	[tilespmem:s19], [sflag:s13] =	stream.linear.gather @p0 [hbm4b:s14+s16], $0x80, $0x200038;
	[tilespmem:$0x8100] =	vst v63  }
0x57: {  	s24 =	sand.u32 $0x1, s18;
	_ =	strace @p0 $0x90000049  }
0x58: {  	s13 =	sadd.s32 $0x1, s24;
	_ =	strace $0x8000004A  }
0x59: {  	_ =	swait.ge [sflag:s13], $0x80  }
0x5a: {  	[sflag:s13] =	ssyncset.done $0x0  }
0x5b: {  	[sflag:s13] =	ssyncadd.s32 $0xFFFFFF80  }
0x5c: {  	s25 =	sadd.s32 s17, s15;
	_ =	strace $0x9000004A  }
0x5d: {  	s13 =	sand.u32 $0x1, s25;
	_ =	strace $0x8000004B  }
0x5e: {  	s29 =	sshll.u32 s18, $0x7;
	s30 =	sshll.u32 s13, $0xE;
	s26 =	rddreg [dreg:$0x3]  }
0x5f: {  	s16 =	sand.u32 $0x80, s29;
	s17 =	sor.u32 $0x100, s30;
	s28 =	rddreg [dreg:$0x2]  }
0x60: {  	[tilespmem:s17], [sflag:$0x5] =	stream.indirect.gather [hbm4b:s28+s26], $0x80, s16, s26, $0x2000b8;
	[tilespmem:$0x8100] =	vst v63  }
0x61: {  	_ =	swait.ge [sflag:s8], $0x4000  }
0x62: {  	[sflag:s8] =	ssyncset.done $0x0  }
0x63: {  	p5 =	por p3, p3;
	p6 =	seq.s32 s11, $0x1;
	[sflag:s8] =	ssyncadd.s32 $0xFFFFC000  }
0x64: {  	s10 =	sadd.s32 s4, s10;
	p0 =	por p6, p5;
	_ =	strace $0x9000004B  }
0x65: {  	s10 =	sshll.u32 @p0 s10, $0xB;
	_ =	strace @p0 $0x8000004C  }
0x66: {  	s12 =	sadd.s32 s20, s12;
	s10 =	sand.u32 @p0 $0x1FFFF800, s10;
	s14 =	rddreg [dreg:$0x4]  }
0x67: {  	s13 =	sadd.s32 @p0 $0x3, s13;
	s10 =	sadd.s32 @p0 s14, s10;
	s14 =	simm.s32 @p0 $0x0  }
0x68: {  	[hbm4b:s10+s14] =	stream.linear.scatter @p0 [tilespmem:s17], [sflag:s13], $0x4000, $0x200038;
	[tilespmem:$0x8100] =	vst v63  }
0x69: {  	p1 =	por p2, p2;
	s10 =	sand.u32 @!p2 $0x1, s12;
	_ =	strace @p0 $0x9000004C  }
0x6a: {  	s10 =	sadd.s32 @!p1 $0x3, s10;
	_ =	strace @!p1 $0x8000004D  }
0x6b: {  	p0 =	sne.s32 s11, $0x68;
	s11 =	simm.s32 $0x1;
	_ =	swait.ge @!p1 [sflag:s10], $0x4000  }
0x6c: {  	s11 =	simm.s32 @!p0 $0x0;
	[sflag:s10] =	ssyncset.done @!p1 $0x0  }
0x6d: {  	s9 =	sadd.s32 $0x1, s9;
	s11 =	sadd.s32 s11, s12;
	[sflag:s10] =	ssyncadd.s32 @!p1 $0xFFFFC000  }
0x6e: {  	p0 =	sne.s32 s9, s6;
	s31 =	sand.u32 $0x1, s11;
	_ =	strace @!p1 $0x9000004D  }
.Ltmp1:
0x6f: {  	s10 =	sadd.s32 $0x3, s31;
	_ =	strace $0x8000004E;
	(pc) =	sbr.rel @p0 .LBB2_1-.Ltmp1, $4  }
0x70: {  	_ =	swait.ge [sflag:s10], $0x4000  }
0x71: {  	[sflag:s10] =	ssyncset.done $0x0  }
0x72: {  	[sflag:s10] =	ssyncadd.s32 $0xFFFFC000  }
0x73: {  	_ =	strace $0x9000004E  }
0x74: {  	_ =	sfence.sel $0x180000  }
0x75: {  	[bflag:$0x0] =	sbarrier.arrive $0xFFFF  }
0x76: {  	p0 =	sne.s32 s2, $0x0;
	_ =	strace $0x90000047  }
0x77: {  	s0 =	sadd.s32 @!p0 $0x100000, s0;
	[bflag:$0x2] =	sbarrier.arrive $0xFFFF  }
0x78: {  	[sflag:s0] =	ssyncadd.tile.s32 @!p0 $0x1;
	_ =	shalt  }
.Lfunc_end2:
_tile_overlayer_lowered:
.L_overlay_start_2:
0x79: {  	(tag) =	ssettag $0x2  }
0x7a: {  	s0 =	rddreg [dreg:$0x0];
	s2 =	stileid.u32  }
0x7b: {  	s1 =	rddreg [dreg:$0x1];
	p0 =	sne.s32 s2, $0x0  }
0x7c: {  	s3 =	rddreg [dreg:$0x2];
	[bflag:$0x3] =	sbarrier.arrive $0xFFFF;
	s2 =	simm.s32 @!p0 $0x1C01  }
0x7d: {  	[timem:s3], [sflag:s2] =	dma.local @!p0 [hbm:s0], s1  }
0x7e: {  	s0 =	simm.s32 @!p0 $0x1  }
0x7f: {  	_ =	swait.ge @!p0 [sflag:s0], s1  }
0x80: {  	s1 =	ssub.s32 @!p0 $0x0, s1;
	[sflag:s0] =	ssyncset.done @!p0 $0x0  }
0x81: {  	[sflag:s0] =	ssyncadd.s32 @!p0 s1  }
0x82: {  	[bflag:$0x3] =	sbarrier.arrive $0xFFFF  }
0x83: {  	_ =	shalt  }

</sc_bundles>
